<compile_context>
chip_gen: v7x
topology: tpu7x:2x2x1
jax: 0.10.2.dev20260603
libtpu: 0.0.44.dev20260713+nightly
codegen_flags: <defaults>
</compile_context>

<pallas_src>
import jax
import jax.numpy as jnp
from jax import lax
from jax.experimental import pallas as pl
from jax.experimental.pallas import tpu as pltpu
from jax.experimental.pallas import tpu_sc as plsc

_BATCH = 16384
_DIM = 64
_NTAB = 4
_NC = 2
_NS = 16
_NW = _NC * _NS
_BPW = _BATCH // _NW
_CHUNK = 128
_NCHUNK = _BPW // _CHUNK
_NCHUNKS_TOTAL = _NTAB * _NCHUNK
_NBUF = 4
_LAG = 2


def _body(uid_h, rid_h, ing_h, nut_h, user_t, recipe_t, ingredient_t,
          nutrition_t, out_hbm, idx_v, bufs, gsems, ssems):
    tables = (user_t, recipe_t, ingredient_t, nutrition_t)
    idx_hbms = (uid_h, rid_h, ing_h, nut_h)
    wid = lax.axis_index("s") * _NC + lax.axis_index("c")
    base = wid * _BPW

    for c in range(_NTAB):
        pltpu.sync_copy(idx_hbms[c].at[pl.ds(base, _BPW)], idx_v.at[c])

    chunks = [(c, j) for c in range(_NTAB) for j in range(_NCHUNK)]
    hg = [None] * _NCHUNKS_TOTAL
    hs = [None] * _NCHUNKS_TOTAL

    def fire_store(i):
        c, j = chunks[i]
        k = i % _NBUF
        hg[i].wait()
        hs[i] = pltpu.async_copy(
            bufs[k],
            out_hbm.at[pl.ds(base + j * _CHUNK, _CHUNK),
                       pl.ds(c * _DIM, _DIM)],
            ssems[k])

    for i, (c, j) in enumerate(chunks):
        k = i % _NBUF
        if i >= _NBUF:
            hs[i - _NBUF].wait()
        hg[i] = pltpu.async_copy(
            tables[c].at[idx_v.at[c, pl.ds(j * _CHUNK, _CHUNK)]],
            bufs[k], gsems[k])
        if i >= _LAG:
            fire_store(i - _LAG)
    for i in range(_NCHUNKS_TOTAL - _LAG, _NCHUNKS_TOTAL):
        fire_store(i)
    for i in range(_NCHUNKS_TOTAL - _NBUF, _NCHUNKS_TOTAL):
        hs[i].wait()


def _sc_call(uid, rid, ing, nut, user_t, recipe_t, ingredient_t, nutrition_t):
    def body(uh, rh, ih, nh, ut, rt, it, nt, out_hbm, idx_v, b0, b1, b2, b3,
             g0, g1, g2, g3, s0, s1, s2, s3):
        _body(uh, rh, ih, nh, ut, rt, it, nt, out_hbm, idx_v,
              (b0, b1, b2, b3), (g0, g1, g2, g3), (s0, s1, s2, s3))

    f = pl.kernel(
        body,
        out_type=jax.ShapeDtypeStruct((_BATCH, _NTAB * _DIM), jnp.float32),
        mesh=plsc.VectorSubcoreMesh(core_axis_name="c", subcore_axis_name="s"),
        scratch_types=[
            pltpu.VMEM((_NTAB, _BPW), jnp.int32),
        ] + [pltpu.VMEM((_CHUNK, _DIM), jnp.float32)] * _NBUF
          + [pltpu.SemaphoreType.DMA] * (2 * _NBUF),
        compiler_params=pltpu.CompilerParams(use_tc_tiling_on_sc=False),
    )
    return f(uid, rid, ing, nut, user_t, recipe_t, ingredient_t, nutrition_t)


def kernel(uid, rid, ing, nut, user_table, recipe_table, ingredient_table,
           nutrition_table):
    return _sc_call(uid.astype(jnp.int32), rid.astype(jnp.int32),
                    ing.astype(jnp.int32), nut.astype(jnp.int32),
                    user_table.astype(jnp.float32),
                    recipe_table.astype(jnp.float32),
                    ingredient_table.astype(jnp.float32),
                    nutrition_table.astype(jnp.float32))

# --- scband reference (transcript-rebuilt; emitter-appended) ---
"""Pipeline reference for scband-sla-18305150615955 (READ-ONLY COPY).

The authoritative reference and input builder live on the scoring server;
editing this copy changes nothing except your own understanding.
"""

import jax, jax.numpy as jnp
import numpy as np

BATCH = 16384
NUM_USERS = 100000
NUM_RECIPES = 100000
NUM_INGREDIENTS = 100000
NUM_NUTRITION = 1000
EMBED_DIM = 64


def setup_inputs(seed: int = 0) -> dict:
    key = jax.random.key(seed)
    k1, k2, k3, k4, k5, k6, k7, k8 = jax.random.split(key, 8)
    uid = jax.random.randint(k1, (BATCH,), 0, NUM_USERS, dtype=jnp.int64 if jax.config.jax_enable_x64 else jnp.int32)
    rid = jax.random.randint(k2, (BATCH,), 0, NUM_RECIPES, dtype=jnp.int64 if jax.config.jax_enable_x64 else jnp.int32)
    ing = jax.random.randint(k3, (BATCH,), 0, NUM_INGREDIENTS, dtype=jnp.int64 if jax.config.jax_enable_x64 else jnp.int32)
    nut = jax.random.randint(k4, (BATCH,), 0, NUM_NUTRITION, dtype=jnp.int64 if jax.config.jax_enable_x64 else jnp.int32)
    user_table = jax.random.normal(k5, (NUM_USERS, EMBED_DIM), dtype=jnp.float32)
    recipe_table = jax.random.normal(k6, (NUM_RECIPES, EMBED_DIM), dtype=jnp.float32)
    ingredient_table = jax.random.normal(k7, (NUM_INGREDIENTS, EMBED_DIM), dtype=jnp.float32)
    nutrition_table = jax.random.normal(k8, (NUM_NUTRITION, EMBED_DIM), dtype=jnp.float32)
    return {
        "uid": uid,
        "rid": rid,
        "ing": ing,
        "nut": nut,
        "user_table": user_table,
        "recipe_table": recipe_table,
        "ingredient_table": ingredient_table,
        "nutrition_table": nutrition_table,
    }


def reference(uid, rid, ing, nut, user_table, recipe_table, ingredient_table, nutrition_table):
    user_emb = jnp.take(user_table, uid, axis=0)
    recipe_emb = jnp.take(recipe_table, rid, axis=0)
    ingredient_emb = jnp.take(ingredient_table, ing, axis=0)
    nutrition_emb = jnp.take(nutrition_table, nut, axis=0)
    max_size = max(user_emb.shape[0], recipe_emb.shape[0], ingredient_emb.shape[0], nutrition_emb.shape[0])
    user_emb = jnp.pad(user_emb, ((0, max_size - user_emb.shape[0]), (0, 0)))
    recipe_emb = jnp.pad(recipe_emb, ((0, max_size - recipe_emb.shape[0]), (0, 0)))
    ingredient_emb = jnp.pad(ingredient_emb, ((0, max_size - ingredient_emb.shape[0]), (0, 0)))
    nutrition_emb = jnp.pad(nutrition_emb, ((0, max_size - nutrition_emb.shape[0]), (0, 0)))
    node_embeddings = jnp.concatenate((user_emb, recipe_emb, ingredient_emb, nutrition_emb), axis=1)
    return node_embeddings

if __name__ == "__main__":
    import jax
    _d = setup_inputs()
    print(jax.jit(kernel)(*tuple(_d.values())))

</pallas_src>

<mosaic_0001>
#map = affine_map<(d0, d1) -> (0)>
#map1 = affine_map<(d0, d1) -> (0, 0)>
module attributes {stable_mosaic.version = 14 : i64} {
  func.func @body(%arg0: i32, %arg1: i32, %arg2: memref<16384xi32, #tpu.memory_space<hbm>>, %arg3: memref<16384xi32, #tpu.memory_space<hbm>>, %arg4: memref<16384xi32, #tpu.memory_space<hbm>>, %arg5: memref<16384xi32, #tpu.memory_space<hbm>>, %arg6: memref<100000x64xf32, #tpu.memory_space<hbm>>, %arg7: memref<100000x64xf32, #tpu.memory_space<hbm>>, %arg8: memref<100000x64xf32, #tpu.memory_space<hbm>>, %arg9: memref<1000x64xf32, #tpu.memory_space<hbm>>, %arg10: memref<16384x256xf32, #tpu.memory_space<hbm>>, %arg11: memref<4x512xi32, #tpu.memory_space<vmem>>, %arg12: memref<128x64xf32, #tpu.memory_space<vmem>>, %arg13: memref<128x64xf32, #tpu.memory_space<vmem>>, %arg14: memref<128x64xf32, #tpu.memory_space<vmem>>, %arg15: memref<128x64xf32, #tpu.memory_space<vmem>>, %arg16: memref<!tpu.dma_semaphore, #tpu.memory_space<semaphore_mem>>, %arg17: memref<!tpu.dma_semaphore, #tpu.memory_space<semaphore_mem>>, %arg18: memref<!tpu.dma_semaphore, #tpu.memory_space<semaphore_mem>>, %arg19: memref<!tpu.dma_semaphore, #tpu.memory_space<semaphore_mem>>, %arg20: memref<!tpu.dma_semaphore, #tpu.memory_space<semaphore_mem>>, %arg21: memref<!tpu.dma_semaphore, #tpu.memory_space<semaphore_mem>>, %arg22: memref<!tpu.dma_semaphore, #tpu.memory_space<semaphore_mem>>, %arg23: memref<!tpu.dma_semaphore, #tpu.memory_space<semaphore_mem>>) attributes {dimension_semantics = [#tpu.dimension_semantics<core_parallel>, #tpu.dimension_semantics<subcore_parallel>], iteration_bounds = array<i64: 2, 16>, scalar_prefetch = 0 : i64, scratch_operands = 13 : i64, tpu.core_type = #tpu.core_type<sc_vector_subcore>, window_params = [{transform_indices = #map}, {transform_indices = #map}, {transform_indices = #map}, {transform_indices = #map}, {transform_indices = #map1}, {transform_indices = #map1}, {transform_indices = #map1}, {transform_indices = #map1}, {transform_indices = #map1}]} {
    %mul3A = arith.constant 2 : i32
    %mul3A_0 = arith.muli %arg1, %mul3A : i32
    %add3A = arith.addi %mul3A_0, %arg0 : i32
    %mul3A_1 = arith.constant 512 : i32
    %mul3A_2 = arith.muli %add3A, %mul3A_1 : i32
    %run_scoped3A = arith.constant 0 : i32
    "tpu.region"() ({
      %run_scoped3A_388 = tpu.sem_alloc : memref<!tpu.dma_semaphore, #tpu.memory_space<semaphore_mem>>
      %dma_start3A_389 = arith.constant 0 : i32
      %dma_start3A_390 = tpu.memref_slice %arg11[%run_scoped3A, %dma_start3A_389] : memref<4x512xi32, #tpu.memory_space<vmem>> -> memref<1x512xi32, #tpu.memory_space<vmem>>
      %dma_start3A_391 = tpu.memref_squeeze %dma_start3A_390 : memref<1x512xi32, #tpu.memory_space<vmem>> -> memref<512xi32, #tpu.memory_space<vmem>>
      %dma_start3A_392 = tpu.memref_slice %arg2[%mul3A_2] : memref<16384xi32, #tpu.memory_space<hbm>> -> memref<512xi32, #tpu.memory_space<hbm>>
      %dma_start3A_393 = arith.constant 0 : i32
      %dma_start3A_394 = tpu.memref_slice %arg11[%run_scoped3A, %dma_start3A_393] : memref<4x512xi32, #tpu.memory_space<vmem>> -> memref<1x512xi32, #tpu.memory_space<vmem>>
      %dma_start3A_395 = tpu.memref_squeeze %dma_start3A_394 : memref<1x512xi32, #tpu.memory_space<vmem>> -> memref<512xi32, #tpu.memory_space<vmem>>
      %dma_start3A_396 = tpu.memref_slice %arg2[%mul3A_2] : memref<16384xi32, #tpu.memory_space<hbm>> -> memref<512xi32, #tpu.memory_space<hbm>>
      tpu.enqueue_dma source(%dma_start3A_396 : memref<512xi32, #tpu.memory_space<hbm>>) target(%dma_start3A_395 : memref<512xi32, #tpu.memory_space<vmem>>) target_semaphore(%run_scoped3A_388 : memref<!tpu.dma_semaphore, #tpu.memory_space<semaphore_mem>>)
      %dma_wait3A_397 = arith.constant 0 : i32
      %dma_wait3A_398 = tpu.memref_slice %arg11[%run_scoped3A, %dma_wait3A_397] : memref<4x512xi32, #tpu.memory_space<vmem>> -> memref<1x512xi32, #tpu.memory_space<vmem>>
      %dma_wait3A_399 = tpu.memref_squeeze %dma_wait3A_398 : memref<1x512xi32, #tpu.memory_space<vmem>> -> memref<512xi32, #tpu.memory_space<vmem>>
      %dma_wait3A_400 = tpu.memref_slice %arg2[%mul3A_2] : memref<16384xi32, #tpu.memory_space<hbm>> -> memref<512xi32, #tpu.memory_space<hbm>>
      %dma_wait3A_401 = arith.constant 0 : i32
      %dma_wait3A_402 = tpu.memref_slice %arg11[%run_scoped3A, %dma_wait3A_401] : memref<4x512xi32, #tpu.memory_space<vmem>> -> memref<1x512xi32, #tpu.memory_space<vmem>>
      %dma_wait3A_403 = tpu.memref_squeeze %dma_wait3A_402 : memref<1x512xi32, #tpu.memory_space<vmem>> -> memref<512xi32, #tpu.memory_space<vmem>>
      %dma_wait3A_404 = tpu.memref_slice %arg2[%mul3A_2] : memref<16384xi32, #tpu.memory_space<hbm>> -> memref<512xi32, #tpu.memory_space<hbm>>
      tpu.wait_dma2 semaphore(%run_scoped3A_388 : memref<!tpu.dma_semaphore, #tpu.memory_space<semaphore_mem>>) src(%dma_wait3A_404 : memref<512xi32, #tpu.memory_space<hbm>>) dst(%dma_wait3A_403 : memref<512xi32, #tpu.memory_space<vmem>>)
      tpu.yield
    }) : () -> ()
    %run_scoped3A_3 = arith.constant 1 : i32
    "tpu.region"() ({
      %run_scoped3A_388 = tpu.sem_alloc : memref<!tpu.dma_semaphore, #tpu.memory_space<semaphore_mem>>
      %dma_start3A_389 = arith.constant 0 : i32
      %dma_start3A_390 = tpu.memref_slice %arg11[%run_scoped3A_3, %dma_start3A_389] : memref<4x512xi32, #tpu.memory_space<vmem>> -> memref<1x512xi32, #tpu.memory_space<vmem>>
      %dma_start3A_391 = tpu.memref_squeeze %dma_start3A_390 : memref<1x512xi32, #tpu.memory_space<vmem>> -> memref<512xi32, #tpu.memory_space<vmem>>
      %dma_start3A_392 = tpu.memref_slice %arg3[%mul3A_2] : memref<16384xi32, #tpu.memory_space<hbm>> -> memref<512xi32, #tpu.memory_space<hbm>>
      %dma_start3A_393 = arith.constant 0 : i32
      %dma_start3A_394 = tpu.memref_slice %arg11[%run_scoped3A_3, %dma_start3A_393] : memref<4x512xi32, #tpu.memory_space<vmem>> -> memref<1x512xi32, #tpu.memory_space<vmem>>
      %dma_start3A_395 = tpu.memref_squeeze %dma_start3A_394 : memref<1x512xi32, #tpu.memory_space<vmem>> -> memref<512xi32, #tpu.memory_space<vmem>>
      %dma_start3A_396 = tpu.memref_slice %arg3[%mul3A_2] : memref<16384xi32, #tpu.memory_space<hbm>> -> memref<512xi32, #tpu.memory_space<hbm>>
      tpu.enqueue_dma source(%dma_start3A_396 : memref<512xi32, #tpu.memory_space<hbm>>) target(%dma_start3A_395 : memref<512xi32, #tpu.memory_space<vmem>>) target_semaphore(%run_scoped3A_388 : memref<!tpu.dma_semaphore, #tpu.memory_space<semaphore_mem>>)
      %dma_wait3A_397 = arith.constant 0 : i32
      %dma_wait3A_398 = tpu.memref_slice %arg11[%run_scoped3A_3, %dma_wait3A_397] : memref<4x512xi32, #tpu.memory_space<vmem>> -> memref<1x512xi32, #tpu.memory_space<vmem>>
      %dma_wait3A_399 = tpu.memref_squeeze %dma_wait3A_398 : memref<1x512xi32, #tpu.memory_space<vmem>> -> memref<512xi32, #tpu.memory_space<vmem>>
      %dma_wait3A_400 = tpu.memref_slice %arg3[%mul3A_2] : memref<16384xi32, #tpu.memory_space<hbm>> -> memref<512xi32, #tpu.memory_space<hbm>>
      %dma_wait3A_401 = arith.constant 0 : i32
      %dma_wait3A_402 = tpu.memref_slice %arg11[%run_scoped3A_3, %dma_wait3A_401] : memref<4x512xi32, #tpu.memory_space<vmem>> -> memref<1x512xi32, #tpu.memory_space<vmem>>
      %dma_wait3A_403 = tpu.memref_squeeze %dma_wait3A_402 : memref<1x512xi32, #tpu.memory_space<vmem>> -> memref<512xi32, #tpu.memory_space<vmem>>
      %dma_wait3A_404 = tpu.memref_slice %arg3[%mul3A_2] : memref<16384xi32, #tpu.memory_space<hbm>> -> memref<512xi32, #tpu.memory_space<hbm>>
      tpu.wait_dma2 semaphore(%run_scoped3A_388 : memref<!tpu.dma_semaphore, #tpu.memory_space<semaphore_mem>>) src(%dma_wait3A_404 : memref<512xi32, #tpu.memory_space<hbm>>) dst(%dma_wait3A_403 : memref<512xi32, #tpu.memory_space<vmem>>)
      tpu.yield
    }) : () -> ()
    %run_scoped3A_4 = arith.constant 2 : i32
    "tpu.region"() ({
      %run_scoped3A_388 = tpu.sem_alloc : memref<!tpu.dma_semaphore, #tpu.memory_space<semaphore_mem>>
      %dma_start3A_389 = arith.constant 0 : i32
      %dma_start3A_390 = tpu.memref_slice %arg11[%run_scoped3A_4, %dma_start3A_389] : memref<4x512xi32, #tpu.memory_space<vmem>> -> memref<1x512xi32, #tpu.memory_space<vmem>>
      %dma_start3A_391 = tpu.memref_squeeze %dma_start3A_390 : memref<1x512xi32, #tpu.memory_space<vmem>> -> memref<512xi32, #tpu.memory_space<vmem>>
      %dma_start3A_392 = tpu.memref_slice %arg4[%mul3A_2] : memref<16384xi32, #tpu.memory_space<hbm>> -> memref<512xi32, #tpu.memory_space<hbm>>
      %dma_start3A_393 = arith.constant 0 : i32
      %dma_start3A_394 = tpu.memref_slice %arg11[%run_scoped3A_4, %dma_start3A_393] : memref<4x512xi32, #tpu.memory_space<vmem>> -> memref<1x512xi32, #tpu.memory_space<vmem>>
      %dma_start3A_395 = tpu.memref_squeeze %dma_start3A_394 : memref<1x512xi32, #tpu.memory_space<vmem>> -> memref<512xi32, #tpu.memory_space<vmem>>
      %dma_start3A_396 = tpu.memref_slice %arg4[%mul3A_2] : memref<16384xi32, #tpu.memory_space<hbm>> -> memref<512xi32, #tpu.memory_space<hbm>>
      tpu.enqueue_dma source(%dma_start3A_396 : memref<512xi32, #tpu.memory_space<hbm>>) target(%dma_start3A_395 : memref<512xi32, #tpu.memory_space<vmem>>) target_semaphore(%run_scoped3A_388 : memref<!tpu.dma_semaphore, #tpu.memory_space<semaphore_mem>>)
      %dma_wait3A_397 = arith.constant 0 : i32
      %dma_wait3A_398 = tpu.memref_slice %arg11[%run_scoped3A_4, %dma_wait3A_397] : memref<4x512xi32, #tpu.memory_space<vmem>> -> memref<1x512xi32, #tpu.memory_space<vmem>>
      %dma_wait3A_399 = tpu.memref_squeeze %dma_wait3A_398 : memref<1x512xi32, #tpu.memory_space<vmem>> -> memref<512xi32, #tpu.memory_space<vmem>>
      %dma_wait3A_400 = tpu.memref_slice %arg4[%mul3A_2] : memref<16384xi32, #tpu.memory_space<hbm>> -> memref<512xi32, #tpu.memory_space<hbm>>
      %dma_wait3A_401 = arith.constant 0 : i32
      %dma_wait3A_402 = tpu.memref_slice %arg11[%run_scoped3A_4, %dma_wait3A_401] : memref<4x512xi32, #tpu.memory_space<vmem>> -> memref<1x512xi32, #tpu.memory_space<vmem>>
      %dma_wait3A_403 = tpu.memref_squeeze %dma_wait3A_402 : memref<1x512xi32, #tpu.memory_space<vmem>> -> memref<512xi32, #tpu.memory_space<vmem>>
      %dma_wait3A_404 = tpu.memref_slice %arg4[%mul3A_2] : memref<16384xi32, #tpu.memory_space<hbm>> -> memref<512xi32, #tpu.memory_space<hbm>>
      tpu.wait_dma2 semaphore(%run_scoped3A_388 : memref<!tpu.dma_semaphore, #tpu.memory_space<semaphore_mem>>) src(%dma_wait3A_404 : memref<512xi32, #tpu.memory_space<hbm>>) dst(%dma_wait3A_403 : memref<512xi32, #tpu.memory_space<vmem>>)
      tpu.yield
    }) : () -> ()
    %run_scoped3A_5 = arith.constant 3 : i32
    "tpu.region"() ({
      %run_scoped3A_388 = tpu.sem_alloc : memref<!tpu.dma_semaphore, #tpu.memory_space<semaphore_mem>>
      %dma_start3A_389 = arith.constant 0 : i32
      %dma_start3A_390 = tpu.memref_slice %arg11[%run_scoped3A_5, %dma_start3A_389] : memref<4x512xi32, #tpu.memory_space<vmem>> -> memref<1x512xi32, #tpu.memory_space<vmem>>
      %dma_start3A_391 = tpu.memref_squeeze %dma_start3A_390 : memref<1x512xi32, #tpu.memory_space<vmem>> -> memref<512xi32, #tpu.memory_space<vmem>>
      %dma_start3A_392 = tpu.memref_slice %arg5[%mul3A_2] : memref<16384xi32, #tpu.memory_space<hbm>> -> memref<512xi32, #tpu.memory_space<hbm>>
      %dma_start3A_393 = arith.constant 0 : i32
      %dma_start3A_394 = tpu.memref_slice %arg11[%run_scoped3A_5, %dma_start3A_393] : memref<4x512xi32, #tpu.memory_space<vmem>> -> memref<1x512xi32, #tpu.memory_space<vmem>>
      %dma_start3A_395 = tpu.memref_squeeze %dma_start3A_394 : memref<1x512xi32, #tpu.memory_space<vmem>> -> memref<512xi32, #tpu.memory_space<vmem>>
      %dma_start3A_396 = tpu.memref_slice %arg5[%mul3A_2] : memref<16384xi32, #tpu.memory_space<hbm>> -> memref<512xi32, #tpu.memory_space<hbm>>
      tpu.enqueue_dma source(%dma_start3A_396 : memref<512xi32, #tpu.memory_space<hbm>>) target(%dma_start3A_395 : memref<512xi32, #tpu.memory_space<vmem>>) target_semaphore(%run_scoped3A_388 : memref<!tpu.dma_semaphore, #tpu.memory_space<semaphore_mem>>)
      %dma_wait3A_397 = arith.constant 0 : i32
      %dma_wait3A_398 = tpu.memref_slice %arg11[%run_scoped3A_5, %dma_wait3A_397] : memref<4x512xi32, #tpu.memory_space<vmem>> -> memref<1x512xi32, #tpu.memory_space<vmem>>
      %dma_wait3A_399 = tpu.memref_squeeze %dma_wait3A_398 : memref<1x512xi32, #tpu.memory_space<vmem>> -> memref<512xi32, #tpu.memory_space<vmem>>
      %dma_wait3A_400 = tpu.memref_slice %arg5[%mul3A_2] : memref<16384xi32, #tpu.memory_space<hbm>> -> memref<512xi32, #tpu.memory_space<hbm>>
      %dma_wait3A_401 = arith.constant 0 : i32
      %dma_wait3A_402 = tpu.memref_slice %arg11[%run_scoped3A_5, %dma_wait3A_401] : memref<4x512xi32, #tpu.memory_space<vmem>> -> memref<1x512xi32, #tpu.memory_space<vmem>>
      %dma_wait3A_403 = tpu.memref_squeeze %dma_wait3A_402 : memref<1x512xi32, #tpu.memory_space<vmem>> -> memref<512xi32, #tpu.memory_space<vmem>>
      %dma_wait3A_404 = tpu.memref_slice %arg5[%mul3A_2] : memref<16384xi32, #tpu.memory_space<hbm>> -> memref<512xi32, #tpu.memory_space<hbm>>
      tpu.wait_dma2 semaphore(%run_scoped3A_388 : memref<!tpu.dma_semaphore, #tpu.memory_space<semaphore_mem>>) src(%dma_wait3A_404 : memref<512xi32, #tpu.memory_space<hbm>>) dst(%dma_wait3A_403 : memref<512xi32, #tpu.memory_space<vmem>>)
      tpu.yield
    }) : () -> ()
    %dma_start3A = arith.constant 0 : i32
    %dma_start3A_6 = arith.constant 0 : i32
    %dma_start3A_7 = tpu.memref_slice %arg11[%dma_start3A, %dma_start3A_6] : memref<4x512xi32, #tpu.memory_space<vmem>> -> memref<1x128xi32, #tpu.memory_space<vmem>>
    %dma_start3A_8 = tpu.memref_squeeze %dma_start3A_7 : memref<1x128xi32, #tpu.memory_space<vmem>> -> memref<128xi32, #tpu.memory_space<vmem>>
    %dma_start3A_9 = arith.constant 0 : i32
    %dma_start3A_10 = arith.constant 0 : i32
    %dma_start3A_11 = tpu.memref_slice %arg6[%dma_start3A_9, %dma_start3A_10] : memref<100000x64xf32, #tpu.memory_space<hbm>> -> memref<100000x64xf32, #tpu.memory_space<hbm>>
    tpu.enqueue_indirect_dma source(%dma_start3A_11 : memref<100000x64xf32, #tpu.memory_space<hbm>>) target(%arg12 : memref<128x64xf32, #tpu.memory_space<vmem>>) offsets(%dma_start3A_8 : memref<128xi32, #tpu.memory_space<vmem>>) semaphore(%arg16 : memref<!tpu.dma_semaphore, #tpu.memory_space<semaphore_mem>>)
    %dma_start3A_12 = arith.constant 0 : i32
    %dma_start3A_13 = arith.constant 128 : i32
    %dma_start3A_14 = tpu.memref_slice %arg11[%dma_start3A_12, %dma_start3A_13] : memref<4x512xi32, #tpu.memory_space<vmem>> -> memref<1x128xi32, #tpu.memory_space<vmem>>
    %dma_start3A_15 = tpu.memref_squeeze %dma_start3A_14 : memref<1x128xi32, #tpu.memory_space<vmem>> -> memref<128xi32, #tpu.memory_space<vmem>>
    %dma_start3A_16 = arith.constant 0 : i32
    %dma_start3A_17 = arith.constant 0 : i32
    %dma_start3A_18 = tpu.memref_slice %arg6[%dma_start3A_16, %dma_start3A_17] : memref<100000x64xf32, #tpu.memory_space<hbm>> -> memref<100000x64xf32, #tpu.memory_space<hbm>>
    tpu.enqueue_indirect_dma source(%dma_start3A_18 : memref<100000x64xf32, #tpu.memory_space<hbm>>) target(%arg13 : memref<128x64xf32, #tpu.memory_space<vmem>>) offsets(%dma_start3A_15 : memref<128xi32, #tpu.memory_space<vmem>>) semaphore(%arg17 : memref<!tpu.dma_semaphore, #tpu.memory_space<semaphore_mem>>)
    %dma_start3A_19 = arith.constant 0 : i32
    %dma_start3A_20 = arith.constant 256 : i32
    %dma_start3A_21 = tpu.memref_slice %arg11[%dma_start3A_19, %dma_start3A_20] : memref<4x512xi32, #tpu.memory_space<vmem>> -> memref<1x128xi32, #tpu.memory_space<vmem>>
    %dma_start3A_22 = tpu.memref_squeeze %dma_start3A_21 : memref<1x128xi32, #tpu.memory_space<vmem>> -> memref<128xi32, #tpu.memory_space<vmem>>
    %dma_start3A_23 = arith.constant 0 : i32
    %dma_start3A_24 = arith.constant 0 : i32
    %dma_start3A_25 = tpu.memref_slice %arg6[%dma_start3A_23, %dma_start3A_24] : memref<100000x64xf32, #tpu.memory_space<hbm>> -> memref<100000x64xf32, #tpu.memory_space<hbm>>
    tpu.enqueue_indirect_dma source(%dma_start3A_25 : memref<100000x64xf32, #tpu.memory_space<hbm>>) target(%arg14 : memref<128x64xf32, #tpu.memory_space<vmem>>) offsets(%dma_start3A_22 : memref<128xi32, #tpu.memory_space<vmem>>) semaphore(%arg18 : memref<!tpu.dma_semaphore, #tpu.memory_space<semaphore_mem>>)
    %dma_wait3A = arith.constant 0 : i32
    %dma_wait3A_26 = arith.constant 0 : i32
    %dma_wait3A_27 = tpu.memref_slice %arg11[%dma_wait3A, %dma_wait3A_26] : memref<4x512xi32, #tpu.memory_space<vmem>> -> memref<1x128xi32, #tpu.memory_space<vmem>>
    %dma_wait3A_28 = tpu.memref_squeeze %dma_wait3A_27 : memref<1x128xi32, #tpu.memory_space<vmem>> -> memref<128xi32, #tpu.memory_space<vmem>>
    %dma_wait3A_29 = arith.constant 0 : i32
    %dma_wait3A_30 = arith.constant 0 : i32
    %dma_wait3A_31 = tpu.memref_slice %arg6[%dma_wait3A_29, %dma_wait3A_30] : memref<100000x64xf32, #tpu.memory_space<hbm>> -> memref<100000x64xf32, #tpu.memory_space<hbm>>
    tpu.wait_indirect_dma semaphore(%arg16 : memref<!tpu.dma_semaphore, #tpu.memory_space<semaphore_mem>>) src(%dma_wait3A_31 : memref<100000x64xf32, #tpu.memory_space<hbm>>) dst(%arg12 : memref<128x64xf32, #tpu.memory_space<vmem>>)
    %add3A_32 = arith.constant 0 : i32
    %add3A_33 = arith.addi %mul3A_2, %add3A_32 : i32
    %dma_start3A_34 = arith.constant 0 : i32
    %dma_start3A_35 = tpu.memref_slice %arg10[%add3A_33, %dma_start3A_34] : memref<16384x256xf32, #tpu.memory_space<hbm>> -> memref<128x64xf32, #tpu.memory_space<hbm>>
    %dma_start3A_36 = arith.constant 0 : i32
    %dma_start3A_37 = tpu.memref_slice %arg10[%add3A_33, %dma_start3A_36] : memref<16384x256xf32, #tpu.memory_space<hbm>> -> memref<128x64xf32, #tpu.memory_space<hbm>>
    tpu.enqueue_dma source(%arg12 : memref<128x64xf32, #tpu.memory_space<vmem>>) target(%dma_start3A_37 : memref<128x64xf32, #tpu.memory_space<hbm>>) target_semaphore(%arg20 : memref<!tpu.dma_semaphore, #tpu.memory_space<semaphore_mem>>)
    %dma_start3A_38 = arith.constant 0 : i32
    %dma_start3A_39 = arith.constant 384 : i32
    %dma_start3A_40 = tpu.memref_slice %arg11[%dma_start3A_38, %dma_start3A_39] : memref<4x512xi32, #tpu.memory_space<vmem>> -> memref<1x128xi32, #tpu.memory_space<vmem>>
    %dma_start3A_41 = tpu.memref_squeeze %dma_start3A_40 : memref<1x128xi32, #tpu.memory_space<vmem>> -> memref<128xi32, #tpu.memory_space<vmem>>
    %dma_start3A_42 = arith.constant 0 : i32
    %dma_start3A_43 = arith.constant 0 : i32
    %dma_start3A_44 = tpu.memref_slice %arg6[%dma_start3A_42, %dma_start3A_43] : memref<100000x64xf32, #tpu.memory_space<hbm>> -> memref<100000x64xf32, #tpu.memory_space<hbm>>
    tpu.enqueue_indirect_dma source(%dma_start3A_44 : memref<100000x64xf32, #tpu.memory_space<hbm>>) target(%arg15 : memref<128x64xf32, #tpu.memory_space<vmem>>) offsets(%dma_start3A_41 : memref<128xi32, #tpu.memory_space<vmem>>) semaphore(%arg19 : memref<!tpu.dma_semaphore, #tpu.memory_space<semaphore_mem>>)
    %dma_wait3A_45 = arith.constant 0 : i32
    %dma_wait3A_46 = arith.constant 128 : i32
    %dma_wait3A_47 = tpu.memref_slice %arg11[%dma_wait3A_45, %dma_wait3A_46] : memref<4x512xi32, #tpu.memory_space<vmem>> -> memref<1x128xi32, #tpu.memory_space<vmem>>
    %dma_wait3A_48 = tpu.memref_squeeze %dma_wait3A_47 : memref<1x128xi32, #tpu.memory_space<vmem>> -> memref<128xi32, #tpu.memory_space<vmem>>
    %dma_wait3A_49 = arith.constant 0 : i32
    %dma_wait3A_50 = arith.constant 0 : i32
    %dma_wait3A_51 = tpu.memref_slice %arg6[%dma_wait3A_49, %dma_wait3A_50] : memref<100000x64xf32, #tpu.memory_space<hbm>> -> memref<100000x64xf32, #tpu.memory_space<hbm>>
    tpu.wait_indirect_dma semaphore(%arg17 : memref<!tpu.dma_semaphore, #tpu.memory_space<semaphore_mem>>) src(%dma_wait3A_51 : memref<100000x64xf32, #tpu.memory_space<hbm>>) dst(%arg13 : memref<128x64xf32, #tpu.memory_space<vmem>>)
    %add3A_52 = arith.constant 128 : i32
    %add3A_53 = arith.addi %mul3A_2, %add3A_52 : i32
    %dma_start3A_54 = arith.constant 0 : i32
    %dma_start3A_55 = tpu.memref_slice %arg10[%add3A_53, %dma_start3A_54] : memref<16384x256xf32, #tpu.memory_space<hbm>> -> memref<128x64xf32, #tpu.memory_space<hbm>>
    %dma_start3A_56 = arith.constant 0 : i32
    %dma_start3A_57 = tpu.memref_slice %arg10[%add3A_53, %dma_start3A_56] : memref<16384x256xf32, #tpu.memory_space<hbm>> -> memref<128x64xf32, #tpu.memory_space<hbm>>
    tpu.enqueue_dma source(%arg13 : memref<128x64xf32, #tpu.memory_space<vmem>>) target(%dma_start3A_57 : memref<128x64xf32, #tpu.memory_space<hbm>>) target_semaphore(%arg21 : memref<!tpu.dma_semaphore, #tpu.memory_space<semaphore_mem>>)
    %dma_wait3A_58 = arith.constant 0 : i32
    %dma_wait3A_59 = tpu.memref_slice %arg10[%add3A_33, %dma_wait3A_58] : memref<16384x256xf32, #tpu.memory_space<hbm>> -> memref<128x64xf32, #tpu.memory_space<hbm>>
    %dma_wait3A_60 = arith.constant 0 : i32
    %dma_wait3A_61 = tpu.memref_slice %arg10[%add3A_33, %dma_wait3A_60] : memref<16384x256xf32, #tpu.memory_space<hbm>> -> memref<128x64xf32, #tpu.memory_space<hbm>>
    tpu.wait_dma2 semaphore(%arg20 : memref<!tpu.dma_semaphore, #tpu.memory_space<semaphore_mem>>) src(%arg12 : memref<128x64xf32, #tpu.memory_space<vmem>>) dst(%dma_wait3A_61 : memref<128x64xf32, #tpu.memory_space<hbm>>)
    %dma_start3A_62 = arith.constant 1 : i32
    %dma_start3A_63 = arith.constant 0 : i32
    %dma_start3A_64 = tpu.memref_slice %arg11[%dma_start3A_62, %dma_start3A_63] : memref<4x512xi32, #tpu.memory_space<vmem>> -> memref<1x128xi32, #tpu.memory_space<vmem>>
    %dma_start3A_65 = tpu.memref_squeeze %dma_start3A_64 : memref<1x128xi32, #tpu.memory_space<vmem>> -> memref<128xi32, #tpu.memory_space<vmem>>
    %dma_start3A_66 = arith.constant 0 : i32
    %dma_start3A_67 = arith.constant 0 : i32
    %dma_start3A_68 = tpu.memref_slice %arg7[%dma_start3A_66, %dma_start3A_67] : memref<100000x64xf32, #tpu.memory_space<hbm>> -> memref<100000x64xf32, #tpu.memory_space<hbm>>
    tpu.enqueue_indirect_dma source(%dma_start3A_68 : memref<100000x64xf32, #tpu.memory_space<hbm>>) target(%arg12 : memref<128x64xf32, #tpu.memory_space<vmem>>) offsets(%dma_start3A_65 : memref<128xi32, #tpu.memory_space<vmem>>) semaphore(%arg16 : memref<!tpu.dma_semaphore, #tpu.memory_space<semaphore_mem>>)
    %dma_wait3A_69 = arith.constant 0 : i32
    %dma_wait3A_70 = arith.constant 256 : i32
    %dma_wait3A_71 = tpu.memref_slice %arg11[%dma_wait3A_69, %dma_wait3A_70] : memref<4x512xi32, #tpu.memory_space<vmem>> -> memref<1x128xi32, #tpu.memory_space<vmem>>
    %dma_wait3A_72 = tpu.memref_squeeze %dma_wait3A_71 : memref<1x128xi32, #tpu.memory_space<vmem>> -> memref<128xi32, #tpu.memory_space<vmem>>
    %dma_wait3A_73 = arith.constant 0 : i32
    %dma_wait3A_74 = arith.constant 0 : i32
    %dma_wait3A_75 = tpu.memref_slice %arg6[%dma_wait3A_73, %dma_wait3A_74] : memref<100000x64xf32, #tpu.memory_space<hbm>> -> memref<100000x64xf32, #tpu.memory_space<hbm>>
    tpu.wait_indirect_dma semaphore(%arg18 : memref<!tpu.dma_semaphore, #tpu.memory_space<semaphore_mem>>) src(%dma_wait3A_75 : memref<100000x64xf32, #tpu.memory_space<hbm>>) dst(%arg14 : memref<128x64xf32, #tpu.memory_space<vmem>>)
    %add3A_76 = arith.constant 256 : i32
    %add3A_77 = arith.addi %mul3A_2, %add3A_76 : i32
    %dma_start3A_78 = arith.constant 0 : i32
    %dma_start3A_79 = tpu.memref_slice %arg10[%add3A_77, %dma_start3A_78] : memref<16384x256xf32, #tpu.memory_space<hbm>> -> memref<128x64xf32, #tpu.memory_space<hbm>>
    %dma_start3A_80 = arith.constant 0 : i32
    %dma_start3A_81 = tpu.memref_slice %arg10[%add3A_77, %dma_start3A_80] : memref<16384x256xf32, #tpu.memory_space<hbm>> -> memref<128x64xf32, #tpu.memory_space<hbm>>
    tpu.enqueue_dma source(%arg14 : memref<128x64xf32, #tpu.memory_space<vmem>>) target(%dma_start3A_81 : memref<128x64xf32, #tpu.memory_space<hbm>>) target_semaphore(%arg22 : memref<!tpu.dma_semaphore, #tpu.memory_space<semaphore_mem>>)
    %dma_wait3A_82 = arith.constant 0 : i32
    %dma_wait3A_83 = tpu.memref_slice %arg10[%add3A_53, %dma_wait3A_82] : memref<16384x256xf32, #tpu.memory_space<hbm>> -> memref<128x64xf32, #tpu.memory_space<hbm>>
    %dma_wait3A_84 = arith.constant 0 : i32
    %dma_wait3A_85 = tpu.memref_slice %arg10[%add3A_53, %dma_wait3A_84] : memref<16384x256xf32, #tpu.memory_space<hbm>> -> memref<128x64xf32, #tpu.memory_space<hbm>>
    tpu.wait_dma2 semaphore(%arg21 : memref<!tpu.dma_semaphore, #tpu.memory_space<semaphore_mem>>) src(%arg13 : memref<128x64xf32, #tpu.memory_space<vmem>>) dst(%dma_wait3A_85 : memref<128x64xf32, #tpu.memory_space<hbm>>)
    %dma_start3A_86 = arith.constant 1 : i32
    %dma_start3A_87 = arith.constant 128 : i32
    %dma_start3A_88 = tpu.memref_slice %arg11[%dma_start3A_86, %dma_start3A_87] : memref<4x512xi32, #tpu.memory_space<vmem>> -> memref<1x128xi32, #tpu.memory_space<vmem>>
    %dma_start3A_89 = tpu.memref_squeeze %dma_start3A_88 : memref<1x128xi32, #tpu.memory_space<vmem>> -> memref<128xi32, #tpu.memory_space<vmem>>
    %dma_start3A_90 = arith.constant 0 : i32
    %dma_start3A_91 = arith.constant 0 : i32
    %dma_start3A_92 = tpu.memref_slice %arg7[%dma_start3A_90, %dma_start3A_91] : memref<100000x64xf32, #tpu.memory_space<hbm>> -> memref<100000x64xf32, #tpu.memory_space<hbm>>
    tpu.enqueue_indirect_dma source(%dma_start3A_92 : memref<100000x64xf32, #tpu.memory_space<hbm>>) target(%arg13 : memref<128x64xf32, #tpu.memory_space<vmem>>) offsets(%dma_start3A_89 : memref<128xi32, #tpu.memory_space<vmem>>) semaphore(%arg17 : memref<!tpu.dma_semaphore, #tpu.memory_space<semaphore_mem>>)
    %dma_wait3A_93 = arith.constant 0 : i32
    %dma_wait3A_94 = arith.constant 384 : i32
    %dma_wait3A_95 = tpu.memref_slice %arg11[%dma_wait3A_93, %dma_wait3A_94] : memref<4x512xi32, #tpu.memory_space<vmem>> -> memref<1x128xi32, #tpu.memory_space<vmem>>
    %dma_wait3A_96 = tpu.memref_squeeze %dma_wait3A_95 : memref<1x128xi32, #tpu.memory_space<vmem>> -> memref<128xi32, #tpu.memory_space<vmem>>
    %dma_wait3A_97 = arith.constant 0 : i32
    %dma_wait3A_98 = arith.constant 0 : i32
    %dma_wait3A_99 = tpu.memref_slice %arg6[%dma_wait3A_97, %dma_wait3A_98] : memref<100000x64xf32, #tpu.memory_space<hbm>> -> memref<100000x64xf32, #tpu.memory_space<hbm>>
    tpu.wait_indirect_dma semaphore(%arg19 : memref<!tpu.dma_semaphore, #tpu.memory_space<semaphore_mem>>) src(%dma_wait3A_99 : memref<100000x64xf32, #tpu.memory_space<hbm>>) dst(%arg15 : memref<128x64xf32, #tpu.memory_space<vmem>>)
    %add3A_100 = arith.constant 384 : i32
    %add3A_101 = arith.addi %mul3A_2, %add3A_100 : i32
    %dma_start3A_102 = arith.constant 0 : i32
    %dma_start3A_103 = tpu.memref_slice %arg10[%add3A_101, %dma_start3A_102] : memref<16384x256xf32, #tpu.memory_space<hbm>> -> memref<128x64xf32, #tpu.memory_space<hbm>>
    %dma_start3A_104 = arith.constant 0 : i32
    %dma_start3A_105 = tpu.memref_slice %arg10[%add3A_101, %dma_start3A_104] : memref<16384x256xf32, #tpu.memory_space<hbm>> -> memref<128x64xf32, #tpu.memory_space<hbm>>
    tpu.enqueue_dma source(%arg15 : memref<128x64xf32, #tpu.memory_space<vmem>>) target(%dma_start3A_105 : memref<128x64xf32, #tpu.memory_space<hbm>>) target_semaphore(%arg23 : memref<!tpu.dma_semaphore, #tpu.memory_space<semaphore_mem>>)
    %dma_wait3A_106 = arith.constant 0 : i32
    %dma_wait3A_107 = tpu.memref_slice %arg10[%add3A_77, %dma_wait3A_106] : memref<16384x256xf32, #tpu.memory_space<hbm>> -> memref<128x64xf32, #tpu.memory_space<hbm>>
    %dma_wait3A_108 = arith.constant 0 : i32
    %dma_wait3A_109 = tpu.memref_slice %arg10[%add3A_77, %dma_wait3A_108] : memref<16384x256xf32, #tpu.memory_space<hbm>> -> memref<128x64xf32, #tpu.memory_space<hbm>>
    tpu.wait_dma2 semaphore(%arg22 : memref<!tpu.dma_semaphore, #tpu.memory_space<semaphore_mem>>) src(%arg14 : memref<128x64xf32, #tpu.memory_space<vmem>>) dst(%dma_wait3A_109 : memref<128x64xf32, #tpu.memory_space<hbm>>)
    %dma_start3A_110 = arith.constant 1 : i32
    %dma_start3A_111 = arith.constant 256 : i32
    %dma_start3A_112 = tpu.memref_slice %arg11[%dma_start3A_110, %dma_start3A_111] : memref<4x512xi32, #tpu.memory_space<vmem>> -> memref<1x128xi32, #tpu.memory_space<vmem>>
    %dma_start3A_113 = tpu.memref_squeeze %dma_start3A_112 : memref<1x128xi32, #tpu.memory_space<vmem>> -> memref<128xi32, #tpu.memory_space<vmem>>
    %dma_start3A_114 = arith.constant 0 : i32
    %dma_start3A_115 = arith.constant 0 : i32
    %dma_start3A_116 = tpu.memref_slice %arg7[%dma_start3A_114, %dma_start3A_115] : memref<100000x64xf32, #tpu.memory_space<hbm>> -> memref<100000x64xf32, #tpu.memory_space<hbm>>
    tpu.enqueue_indirect_dma source(%dma_start3A_116 : memref<100000x64xf32, #tpu.memory_space<hbm>>) target(%arg14 : memref<128x64xf32, #tpu.memory_space<vmem>>) offsets(%dma_start3A_113 : memref<128xi32, #tpu.memory_space<vmem>>) semaphore(%arg18 : memref<!tpu.dma_semaphore, #tpu.memory_space<semaphore_mem>>)
    %dma_wait3A_117 = arith.constant 1 : i32
    %dma_wait3A_118 = arith.constant 0 : i32
    %dma_wait3A_119 = tpu.memref_slice %arg11[%dma_wait3A_117, %dma_wait3A_118] : memref<4x512xi32, #tpu.memory_space<vmem>> -> memref<1x128xi32, #tpu.memory_space<vmem>>
    %dma_wait3A_120 = tpu.memref_squeeze %dma_wait3A_119 : memref<1x128xi32, #tpu.memory_space<vmem>> -> memref<128xi32, #tpu.memory_space<vmem>>
    %dma_wait3A_121 = arith.constant 0 : i32
    %dma_wait3A_122 = arith.constant 0 : i32
    %dma_wait3A_123 = tpu.memref_slice %arg7[%dma_wait3A_121, %dma_wait3A_122] : memref<100000x64xf32, #tpu.memory_space<hbm>> -> memref<100000x64xf32, #tpu.memory_space<hbm>>
    tpu.wait_indirect_dma semaphore(%arg16 : memref<!tpu.dma_semaphore, #tpu.memory_space<semaphore_mem>>) src(%dma_wait3A_123 : memref<100000x64xf32, #tpu.memory_space<hbm>>) dst(%arg12 : memref<128x64xf32, #tpu.memory_space<vmem>>)
    %add3A_124 = arith.constant 0 : i32
    %add3A_125 = arith.addi %mul3A_2, %add3A_124 : i32
    %dma_start3A_126 = arith.constant 64 : i32
    %dma_start3A_127 = tpu.memref_slice %arg10[%add3A_125, %dma_start3A_126] : memref<16384x256xf32, #tpu.memory_space<hbm>> -> memref<128x64xf32, #tpu.memory_space<hbm>>
    %dma_start3A_128 = arith.constant 64 : i32
    %dma_start3A_129 = tpu.memref_slice %arg10[%add3A_125, %dma_start3A_128] : memref<16384x256xf32, #tpu.memory_space<hbm>> -> memref<128x64xf32, #tpu.memory_space<hbm>>
    tpu.enqueue_dma source(%arg12 : memref<128x64xf32, #tpu.memory_space<vmem>>) target(%dma_start3A_129 : memref<128x64xf32, #tpu.memory_space<hbm>>) target_semaphore(%arg20 : memref<!tpu.dma_semaphore, #tpu.memory_space<semaphore_mem>>)
    %dma_wait3A_130 = arith.constant 0 : i32
    %dma_wait3A_131 = tpu.memref_slice %arg10[%add3A_101, %dma_wait3A_130] : memref<16384x256xf32, #tpu.memory_space<hbm>> -> memref<128x64xf32, #tpu.memory_space<hbm>>
    %dma_wait3A_132 = arith.constant 0 : i32
    %dma_wait3A_133 = tpu.memref_slice %arg10[%add3A_101, %dma_wait3A_132] : memref<16384x256xf32, #tpu.memory_space<hbm>> -> memref<128x64xf32, #tpu.memory_space<hbm>>
    tpu.wait_dma2 semaphore(%arg23 : memref<!tpu.dma_semaphore, #tpu.memory_space<semaphore_mem>>) src(%arg15 : memref<128x64xf32, #tpu.memory_space<vmem>>) dst(%dma_wait3A_133 : memref<128x64xf32, #tpu.memory_space<hbm>>)
    %dma_start3A_134 = arith.constant 1 : i32
    %dma_start3A_135 = arith.constant 384 : i32
    %dma_start3A_136 = tpu.memref_slice %arg11[%dma_start3A_134, %dma_start3A_135] : memref<4x512xi32, #tpu.memory_space<vmem>> -> memref<1x128xi32, #tpu.memory_space<vmem>>
    %dma_start3A_137 = tpu.memref_squeeze %dma_start3A_136 : memref<1x128xi32, #tpu.memory_space<vmem>> -> memref<128xi32, #tpu.memory_space<vmem>>
    %dma_start3A_138 = arith.constant 0 : i32
    %dma_start3A_139 = arith.constant 0 : i32
    %dma_start3A_140 = tpu.memref_slice %arg7[%dma_start3A_138, %dma_start3A_139] : memref<100000x64xf32, #tpu.memory_space<hbm>> -> memref<100000x64xf32, #tpu.memory_space<hbm>>
    tpu.enqueue_indirect_dma source(%dma_start3A_140 : memref<100000x64xf32, #tpu.memory_space<hbm>>) target(%arg15 : memref<128x64xf32, #tpu.memory_space<vmem>>) offsets(%dma_start3A_137 : memref<128xi32, #tpu.memory_space<vmem>>) semaphore(%arg19 : memref<!tpu.dma_semaphore, #tpu.memory_space<semaphore_mem>>)
    %dma_wait3A_141 = arith.constant 1 : i32
    %dma_wait3A_142 = arith.constant 128 : i32
    %dma_wait3A_143 = tpu.memref_slice %arg11[%dma_wait3A_141, %dma_wait3A_142] : memref<4x512xi32, #tpu.memory_space<vmem>> -> memref<1x128xi32, #tpu.memory_space<vmem>>
    %dma_wait3A_144 = tpu.memref_squeeze %dma_wait3A_143 : memref<1x128xi32, #tpu.memory_space<vmem>> -> memref<128xi32, #tpu.memory_space<vmem>>
    %dma_wait3A_145 = arith.constant 0 : i32
    %dma_wait3A_146 = arith.constant 0 : i32
    %dma_wait3A_147 = tpu.memref_slice %arg7[%dma_wait3A_145, %dma_wait3A_146] : memref<100000x64xf32, #tpu.memory_space<hbm>> -> memref<100000x64xf32, #tpu.memory_space<hbm>>
    tpu.wait_indirect_dma semaphore(%arg17 : memref<!tpu.dma_semaphore, #tpu.memory_space<semaphore_mem>>) src(%dma_wait3A_147 : memref<100000x64xf32, #tpu.memory_space<hbm>>) dst(%arg13 : memref<128x64xf32, #tpu.memory_space<vmem>>)
    %add3A_148 = arith.constant 128 : i32
    %add3A_149 = arith.addi %mul3A_2, %add3A_148 : i32
    %dma_start3A_150 = arith.constant 64 : i32
    %dma_start3A_151 = tpu.memref_slice %arg10[%add3A_149, %dma_start3A_150] : memref<16384x256xf32, #tpu.memory_space<hbm>> -> memref<128x64xf32, #tpu.memory_space<hbm>>
    %dma_start3A_152 = arith.constant 64 : i32
    %dma_start3A_153 = tpu.memref_slice %arg10[%add3A_149, %dma_start3A_152] : memref<16384x256xf32, #tpu.memory_space<hbm>> -> memref<128x64xf32, #tpu.memory_space<hbm>>
    tpu.enqueue_dma source(%arg13 : memref<128x64xf32, #tpu.memory_space<vmem>>) target(%dma_start3A_153 : memref<128x64xf32, #tpu.memory_space<hbm>>) target_semaphore(%arg21 : memref<!tpu.dma_semaphore, #tpu.memory_space<semaphore_mem>>)
    %dma_wait3A_154 = arith.constant 64 : i32
    %dma_wait3A_155 = tpu.memref_slice %arg10[%add3A_125, %dma_wait3A_154] : memref<16384x256xf32, #tpu.memory_space<hbm>> -> memref<128x64xf32, #tpu.memory_space<hbm>>
    %dma_wait3A_156 = arith.constant 64 : i32
    %dma_wait3A_157 = tpu.memref_slice %arg10[%add3A_125, %dma_wait3A_156] : memref<16384x256xf32, #tpu.memory_space<hbm>> -> memref<128x64xf32, #tpu.memory_space<hbm>>
    tpu.wait_dma2 semaphore(%arg20 : memref<!tpu.dma_semaphore, #tpu.memory_space<semaphore_mem>>) src(%arg12 : memref<128x64xf32, #tpu.memory_space<vmem>>) dst(%dma_wait3A_157 : memref<128x64xf32, #tpu.memory_space<hbm>>)
    %dma_start3A_158 = arith.constant 2 : i32
    %dma_start3A_159 = arith.constant 0 : i32
    %dma_start3A_160 = tpu.memref_slice %arg11[%dma_start3A_158, %dma_start3A_159] : memref<4x512xi32, #tpu.memory_space<vmem>> -> memref<1x128xi32, #tpu.memory_space<vmem>>
    %dma_start3A_161 = tpu.memref_squeeze %dma_start3A_160 : memref<1x128xi32, #tpu.memory_space<vmem>> -> memref<128xi32, #tpu.memory_space<vmem>>
    %dma_start3A_162 = arith.constant 0 : i32
    %dma_start3A_163 = arith.constant 0 : i32
    %dma_start3A_164 = tpu.memref_slice %arg8[%dma_start3A_162, %dma_start3A_163] : memref<100000x64xf32, #tpu.memory_space<hbm>> -> memref<100000x64xf32, #tpu.memory_space<hbm>>
    tpu.enqueue_indirect_dma source(%dma_start3A_164 : memref<100000x64xf32, #tpu.memory_space<hbm>>) target(%arg12 : memref<128x64xf32, #tpu.memory_space<vmem>>) offsets(%dma_start3A_161 : memref<128xi32, #tpu.memory_space<vmem>>) semaphore(%arg16 : memref<!tpu.dma_semaphore, #tpu.memory_space<semaphore_mem>>)
    %dma_wait3A_165 = arith.constant 1 : i32
    %dma_wait3A_166 = arith.constant 256 : i32
    %dma_wait3A_167 = tpu.memref_slice %arg11[%dma_wait3A_165, %dma_wait3A_166] : memref<4x512xi32, #tpu.memory_space<vmem>> -> memref<1x128xi32, #tpu.memory_space<vmem>>
    %dma_wait3A_168 = tpu.memref_squeeze %dma_wait3A_167 : memref<1x128xi32, #tpu.memory_space<vmem>> -> memref<128xi32, #tpu.memory_space<vmem>>
    %dma_wait3A_169 = arith.constant 0 : i32
    %dma_wait3A_170 = arith.constant 0 : i32
    %dma_wait3A_171 = tpu.memref_slice %arg7[%dma_wait3A_169, %dma_wait3A_170] : memref<100000x64xf32, #tpu.memory_space<hbm>> -> memref<100000x64xf32, #tpu.memory_space<hbm>>
    tpu.wait_indirect_dma semaphore(%arg18 : memref<!tpu.dma_semaphore, #tpu.memory_space<semaphore_mem>>) src(%dma_wait3A_171 : memref<100000x64xf32, #tpu.memory_space<hbm>>) dst(%arg14 : memref<128x64xf32, #tpu.memory_space<vmem>>)
    %add3A_172 = arith.constant 256 : i32
    %add3A_173 = arith.addi %mul3A_2, %add3A_172 : i32
    %dma_start3A_174 = arith.constant 64 : i32
    %dma_start3A_175 = tpu.memref_slice %arg10[%add3A_173, %dma_start3A_174] : memref<16384x256xf32, #tpu.memory_space<hbm>> -> memref<128x64xf32, #tpu.memory_space<hbm>>
    %dma_start3A_176 = arith.constant 64 : i32
    %dma_start3A_177 = tpu.memref_slice %arg10[%add3A_173, %dma_start3A_176] : memref<16384x256xf32, #tpu.memory_space<hbm>> -> memref<128x64xf32, #tpu.memory_space<hbm>>
    tpu.enqueue_dma source(%arg14 : memref<128x64xf32, #tpu.memory_space<vmem>>) target(%dma_start3A_177 : memref<128x64xf32, #tpu.memory_space<hbm>>) target_semaphore(%arg22 : memref<!tpu.dma_semaphore, #tpu.memory_space<semaphore_mem>>)
    %dma_wait3A_178 = arith.constant 64 : i32
    %dma_wait3A_179 = tpu.memref_slice %arg10[%add3A_149, %dma_wait3A_178] : memref<16384x256xf32, #tpu.memory_space<hbm>> -> memref<128x64xf32, #tpu.memory_space<hbm>>
    %dma_wait3A_180 = arith.constant 64 : i32
    %dma_wait3A_181 = tpu.memref_slice %arg10[%add3A_149, %dma_wait3A_180] : memref<16384x256xf32, #tpu.memory_space<hbm>> -> memref<128x64xf32, #tpu.memory_space<hbm>>
    tpu.wait_dma2 semaphore(%arg21 : memref<!tpu.dma_semaphore, #tpu.memory_space<semaphore_mem>>) src(%arg13 : memref<128x64xf32, #tpu.memory_space<vmem>>) dst(%dma_wait3A_181 : memref<128x64xf32, #tpu.memory_space<hbm>>)
    %dma_start3A_182 = arith.constant 2 : i32
    %dma_start3A_183 = arith.constant 128 : i32
    %dma_start3A_184 = tpu.memref_slice %arg11[%dma_start3A_182, %dma_start3A_183] : memref<4x512xi32, #tpu.memory_space<vmem>> -> memref<1x128xi32, #tpu.memory_space<vmem>>
    %dma_start3A_185 = tpu.memref_squeeze %dma_start3A_184 : memref<1x128xi32, #tpu.memory_space<vmem>> -> memref<128xi32, #tpu.memory_space<vmem>>
    %dma_start3A_186 = arith.constant 0 : i32
    %dma_start3A_187 = arith.constant 0 : i32
    %dma_start3A_188 = tpu.memref_slice %arg8[%dma_start3A_186, %dma_start3A_187] : memref<100000x64xf32, #tpu.memory_space<hbm>> -> memref<100000x64xf32, #tpu.memory_space<hbm>>
    tpu.enqueue_indirect_dma source(%dma_start3A_188 : memref<100000x64xf32, #tpu.memory_space<hbm>>) target(%arg13 : memref<128x64xf32, #tpu.memory_space<vmem>>) offsets(%dma_start3A_185 : memref<128xi32, #tpu.memory_space<vmem>>) semaphore(%arg17 : memref<!tpu.dma_semaphore, #tpu.memory_space<semaphore_mem>>)
    %dma_wait3A_189 = arith.constant 1 : i32
    %dma_wait3A_190 = arith.constant 384 : i32
    %dma_wait3A_191 = tpu.memref_slice %arg11[%dma_wait3A_189, %dma_wait3A_190] : memref<4x512xi32, #tpu.memory_space<vmem>> -> memref<1x128xi32, #tpu.memory_space<vmem>>
    %dma_wait3A_192 = tpu.memref_squeeze %dma_wait3A_191 : memref<1x128xi32, #tpu.memory_space<vmem>> -> memref<128xi32, #tpu.memory_space<vmem>>
    %dma_wait3A_193 = arith.constant 0 : i32
    %dma_wait3A_194 = arith.constant 0 : i32
    %dma_wait3A_195 = tpu.memref_slice %arg7[%dma_wait3A_193, %dma_wait3A_194] : memref<100000x64xf32, #tpu.memory_space<hbm>> -> memref<100000x64xf32, #tpu.memory_space<hbm>>
    tpu.wait_indirect_dma semaphore(%arg19 : memref<!tpu.dma_semaphore, #tpu.memory_space<semaphore_mem>>) src(%dma_wait3A_195 : memref<100000x64xf32, #tpu.memory_space<hbm>>) dst(%arg15 : memref<128x64xf32, #tpu.memory_space<vmem>>)
    %add3A_196 = arith.constant 384 : i32
    %add3A_197 = arith.addi %mul3A_2, %add3A_196 : i32
    %dma_start3A_198 = arith.constant 64 : i32
    %dma_start3A_199 = tpu.memref_slice %arg10[%add3A_197, %dma_start3A_198] : memref<16384x256xf32, #tpu.memory_space<hbm>> -> memref<128x64xf32, #tpu.memory_space<hbm>>
    %dma_start3A_200 = arith.constant 64 : i32
    %dma_start3A_201 = tpu.memref_slice %arg10[%add3A_197, %dma_start3A_200] : memref<16384x256xf32, #tpu.memory_space<hbm>> -> memref<128x64xf32, #tpu.memory_space<hbm>>
    tpu.enqueue_dma source(%arg15 : memref<128x64xf32, #tpu.memory_space<vmem>>) target(%dma_start3A_201 : memref<128x64xf32, #tpu.memory_space<hbm>>) target_semaphore(%arg23 : memref<!tpu.dma_semaphore, #tpu.memory_space<semaphore_mem>>)
    %dma_wait3A_202 = arith.constant 64 : i32
    %dma_wait3A_203 = tpu.memref_slice %arg10[%add3A_173, %dma_wait3A_202] : memref<16384x256xf32, #tpu.memory_space<hbm>> -> memref<128x64xf32, #tpu.memory_space<hbm>>
    %dma_wait3A_204 = arith.constant 64 : i32
    %dma_wait3A_205 = tpu.memref_slice %arg10[%add3A_173, %dma_wait3A_204] : memref<16384x256xf32, #tpu.memory_space<hbm>> -> memref<128x64xf32, #tpu.memory_space<hbm>>
    tpu.wait_dma2 semaphore(%arg22 : memref<!tpu.dma_semaphore, #tpu.memory_space<semaphore_mem>>) src(%arg14 : memref<128x64xf32, #tpu.memory_space<vmem>>) dst(%dma_wait3A_205 : memref<128x64xf32, #tpu.memory_space<hbm>>)
    %dma_start3A_206 = arith.constant 2 : i32
    %dma_start3A_207 = arith.constant 256 : i32
    %dma_start3A_208 = tpu.memref_slice %arg11[%dma_start3A_206, %dma_start3A_207] : memref<4x512xi32, #tpu.memory_space<vmem>> -> memref<1x128xi32, #tpu.memory_space<vmem>>
    %dma_start3A_209 = tpu.memref_squeeze %dma_start3A_208 : memref<1x128xi32, #tpu.memory_space<vmem>> -> memref<128xi32, #tpu.memory_space<vmem>>
    %dma_start3A_210 = arith.constant 0 : i32
    %dma_start3A_211 = arith.constant 0 : i32
    %dma_start3A_212 = tpu.memref_slice %arg8[%dma_start3A_210, %dma_start3A_211] : memref<100000x64xf32, #tpu.memory_space<hbm>> -> memref<100000x64xf32, #tpu.memory_space<hbm>>
    tpu.enqueue_indirect_dma source(%dma_start3A_212 : memref<100000x64xf32, #tpu.memory_space<hbm>>) target(%arg14 : memref<128x64xf32, #tpu.memory_space<vmem>>) offsets(%dma_start3A_209 : memref<128xi32, #tpu.memory_space<vmem>>) semaphore(%arg18 : memref<!tpu.dma_semaphore, #tpu.memory_space<semaphore_mem>>)
    %dma_wait3A_213 = arith.constant 2 : i32
    %dma_wait3A_214 = arith.constant 0 : i32
    %dma_wait3A_215 = tpu.memref_slice %arg11[%dma_wait3A_213, %dma_wait3A_214] : memref<4x512xi32, #tpu.memory_space<vmem>> -> memref<1x128xi32, #tpu.memory_space<vmem>>
    %dma_wait3A_216 = tpu.memref_squeeze %dma_wait3A_215 : memref<1x128xi32, #tpu.memory_space<vmem>> -> memref<128xi32, #tpu.memory_space<vmem>>
    %dma_wait3A_217 = arith.constant 0 : i32
    %dma_wait3A_218 = arith.constant 0 : i32
    %dma_wait3A_219 = tpu.memref_slice %arg8[%dma_wait3A_217, %dma_wait3A_218] : memref<100000x64xf32, #tpu.memory_space<hbm>> -> memref<100000x64xf32, #tpu.memory_space<hbm>>
    tpu.wait_indirect_dma semaphore(%arg16 : memref<!tpu.dma_semaphore, #tpu.memory_space<semaphore_mem>>) src(%dma_wait3A_219 : memref<100000x64xf32, #tpu.memory_space<hbm>>) dst(%arg12 : memref<128x64xf32, #tpu.memory_space<vmem>>)
    %add3A_220 = arith.constant 0 : i32
    %add3A_221 = arith.addi %mul3A_2, %add3A_220 : i32
    %dma_start3A_222 = arith.constant 128 : i32
    %dma_start3A_223 = tpu.memref_slice %arg10[%add3A_221, %dma_start3A_222] : memref<16384x256xf32, #tpu.memory_space<hbm>> -> memref<128x64xf32, #tpu.memory_space<hbm>>
    %dma_start3A_224 = arith.constant 128 : i32
    %dma_start3A_225 = tpu.memref_slice %arg10[%add3A_221, %dma_start3A_224] : memref<16384x256xf32, #tpu.memory_space<hbm>> -> memref<128x64xf32, #tpu.memory_space<hbm>>
    tpu.enqueue_dma source(%arg12 : memref<128x64xf32, #tpu.memory_space<vmem>>) target(%dma_start3A_225 : memref<128x64xf32, #tpu.memory_space<hbm>>) target_semaphore(%arg20 : memref<!tpu.dma_semaphore, #tpu.memory_space<semaphore_mem>>)
    %dma_wait3A_226 = arith.constant 64 : i32
    %dma_wait3A_227 = tpu.memref_slice %arg10[%add3A_197, %dma_wait3A_226] : memref<16384x256xf32, #tpu.memory_space<hbm>> -> memref<128x64xf32, #tpu.memory_space<hbm>>
    %dma_wait3A_228 = arith.constant 64 : i32
    %dma_wait3A_229 = tpu.memref_slice %arg10[%add3A_197, %dma_wait3A_228] : memref<16384x256xf32, #tpu.memory_space<hbm>> -> memref<128x64xf32, #tpu.memory_space<hbm>>
    tpu.wait_dma2 semaphore(%arg23 : memref<!tpu.dma_semaphore, #tpu.memory_space<semaphore_mem>>) src(%arg15 : memref<128x64xf32, #tpu.memory_space<vmem>>) dst(%dma_wait3A_229 : memref<128x64xf32, #tpu.memory_space<hbm>>)
    %dma_start3A_230 = arith.constant 2 : i32
    %dma_start3A_231 = arith.constant 384 : i32
    %dma_start3A_232 = tpu.memref_slice %arg11[%dma_start3A_230, %dma_start3A_231] : memref<4x512xi32, #tpu.memory_space<vmem>> -> memref<1x128xi32, #tpu.memory_space<vmem>>
    %dma_start3A_233 = tpu.memref_squeeze %dma_start3A_232 : memref<1x128xi32, #tpu.memory_space<vmem>> -> memref<128xi32, #tpu.memory_space<vmem>>
    %dma_start3A_234 = arith.constant 0 : i32
    %dma_start3A_235 = arith.constant 0 : i32
    %dma_start3A_236 = tpu.memref_slice %arg8[%dma_start3A_234, %dma_start3A_235] : memref<100000x64xf32, #tpu.memory_space<hbm>> -> memref<100000x64xf32, #tpu.memory_space<hbm>>
    tpu.enqueue_indirect_dma source(%dma_start3A_236 : memref<100000x64xf32, #tpu.memory_space<hbm>>) target(%arg15 : memref<128x64xf32, #tpu.memory_space<vmem>>) offsets(%dma_start3A_233 : memref<128xi32, #tpu.memory_space<vmem>>) semaphore(%arg19 : memref<!tpu.dma_semaphore, #tpu.memory_space<semaphore_mem>>)
    %dma_wait3A_237 = arith.constant 2 : i32
    %dma_wait3A_238 = arith.constant 128 : i32
    %dma_wait3A_239 = tpu.memref_slice %arg11[%dma_wait3A_237, %dma_wait3A_238] : memref<4x512xi32, #tpu.memory_space<vmem>> -> memref<1x128xi32, #tpu.memory_space<vmem>>
    %dma_wait3A_240 = tpu.memref_squeeze %dma_wait3A_239 : memref<1x128xi32, #tpu.memory_space<vmem>> -> memref<128xi32, #tpu.memory_space<vmem>>
    %dma_wait3A_241 = arith.constant 0 : i32
    %dma_wait3A_242 = arith.constant 0 : i32
    %dma_wait3A_243 = tpu.memref_slice %arg8[%dma_wait3A_241, %dma_wait3A_242] : memref<100000x64xf32, #tpu.memory_space<hbm>> -> memref<100000x64xf32, #tpu.memory_space<hbm>>
    tpu.wait_indirect_dma semaphore(%arg17 : memref<!tpu.dma_semaphore, #tpu.memory_space<semaphore_mem>>) src(%dma_wait3A_243 : memref<100000x64xf32, #tpu.memory_space<hbm>>) dst(%arg13 : memref<128x64xf32, #tpu.memory_space<vmem>>)
    %add3A_244 = arith.constant 128 : i32
    %add3A_245 = arith.addi %mul3A_2, %add3A_244 : i32
    %dma_start3A_246 = arith.constant 128 : i32
    %dma_start3A_247 = tpu.memref_slice %arg10[%add3A_245, %dma_start3A_246] : memref<16384x256xf32, #tpu.memory_space<hbm>> -> memref<128x64xf32, #tpu.memory_space<hbm>>
    %dma_start3A_248 = arith.constant 128 : i32
    %dma_start3A_249 = tpu.memref_slice %arg10[%add3A_245, %dma_start3A_248] : memref<16384x256xf32, #tpu.memory_space<hbm>> -> memref<128x64xf32, #tpu.memory_space<hbm>>
    tpu.enqueue_dma source(%arg13 : memref<128x64xf32, #tpu.memory_space<vmem>>) target(%dma_start3A_249 : memref<128x64xf32, #tpu.memory_space<hbm>>) target_semaphore(%arg21 : memref<!tpu.dma_semaphore, #tpu.memory_space<semaphore_mem>>)
    %dma_wait3A_250 = arith.constant 128 : i32
    %dma_wait3A_251 = tpu.memref_slice %arg10[%add3A_221, %dma_wait3A_250] : memref<16384x256xf32, #tpu.memory_space<hbm>> -> memref<128x64xf32, #tpu.memory_space<hbm>>
    %dma_wait3A_252 = arith.constant 128 : i32
    %dma_wait3A_253 = tpu.memref_slice %arg10[%add3A_221, %dma_wait3A_252] : memref<16384x256xf32, #tpu.memory_space<hbm>> -> memref<128x64xf32, #tpu.memory_space<hbm>>
    tpu.wait_dma2 semaphore(%arg20 : memref<!tpu.dma_semaphore, #tpu.memory_space<semaphore_mem>>) src(%arg12 : memref<128x64xf32, #tpu.memory_space<vmem>>) dst(%dma_wait3A_253 : memref<128x64xf32, #tpu.memory_space<hbm>>)
    %dma_start3A_254 = arith.constant 3 : i32
    %dma_start3A_255 = arith.constant 0 : i32
    %dma_start3A_256 = tpu.memref_slice %arg11[%dma_start3A_254, %dma_start3A_255] : memref<4x512xi32, #tpu.memory_space<vmem>> -> memref<1x128xi32, #tpu.memory_space<vmem>>
    %dma_start3A_257 = tpu.memref_squeeze %dma_start3A_256 : memref<1x128xi32, #tpu.memory_space<vmem>> -> memref<128xi32, #tpu.memory_space<vmem>>
    %dma_start3A_258 = arith.constant 0 : i32
    %dma_start3A_259 = arith.constant 0 : i32
    %dma_start3A_260 = tpu.memref_slice %arg9[%dma_start3A_258, %dma_start3A_259] : memref<1000x64xf32, #tpu.memory_space<hbm>> -> memref<1000x64xf32, #tpu.memory_space<hbm>>
    tpu.enqueue_indirect_dma source(%dma_start3A_260 : memref<1000x64xf32, #tpu.memory_space<hbm>>) target(%arg12 : memref<128x64xf32, #tpu.memory_space<vmem>>) offsets(%dma_start3A_257 : memref<128xi32, #tpu.memory_space<vmem>>) semaphore(%arg16 : memref<!tpu.dma_semaphore, #tpu.memory_space<semaphore_mem>>)
    %dma_wait3A_261 = arith.constant 2 : i32
    %dma_wait3A_262 = arith.constant 256 : i32
    %dma_wait3A_263 = tpu.memref_slice %arg11[%dma_wait3A_261, %dma_wait3A_262] : memref<4x512xi32, #tpu.memory_space<vmem>> -> memref<1x128xi32, #tpu.memory_space<vmem>>
    %dma_wait3A_264 = tpu.memref_squeeze %dma_wait3A_263 : memref<1x128xi32, #tpu.memory_space<vmem>> -> memref<128xi32, #tpu.memory_space<vmem>>
    %dma_wait3A_265 = arith.constant 0 : i32
    %dma_wait3A_266 = arith.constant 0 : i32
    %dma_wait3A_267 = tpu.memref_slice %arg8[%dma_wait3A_265, %dma_wait3A_266] : memref<100000x64xf32, #tpu.memory_space<hbm>> -> memref<100000x64xf32, #tpu.memory_space<hbm>>
    tpu.wait_indirect_dma semaphore(%arg18 : memref<!tpu.dma_semaphore, #tpu.memory_space<semaphore_mem>>) src(%dma_wait3A_267 : memref<100000x64xf32, #tpu.memory_space<hbm>>) dst(%arg14 : memref<128x64xf32, #tpu.memory_space<vmem>>)
    %add3A_268 = arith.constant 256 : i32
    %add3A_269 = arith.addi %mul3A_2, %add3A_268 : i32
    %dma_start3A_270 = arith.constant 128 : i32
    %dma_start3A_271 = tpu.memref_slice %arg10[%add3A_269, %dma_start3A_270] : memref<16384x256xf32, #tpu.memory_space<hbm>> -> memref<128x64xf32, #tpu.memory_space<hbm>>
    %dma_start3A_272 = arith.constant 128 : i32
    %dma_start3A_273 = tpu.memref_slice %arg10[%add3A_269, %dma_start3A_272] : memref<16384x256xf32, #tpu.memory_space<hbm>> -> memref<128x64xf32, #tpu.memory_space<hbm>>
    tpu.enqueue_dma source(%arg14 : memref<128x64xf32, #tpu.memory_space<vmem>>) target(%dma_start3A_273 : memref<128x64xf32, #tpu.memory_space<hbm>>) target_semaphore(%arg22 : memref<!tpu.dma_semaphore, #tpu.memory_space<semaphore_mem>>)
    %dma_wait3A_274 = arith.constant 128 : i32
    %dma_wait3A_275 = tpu.memref_slice %arg10[%add3A_245, %dma_wait3A_274] : memref<16384x256xf32, #tpu.memory_space<hbm>> -> memref<128x64xf32, #tpu.memory_space<hbm>>
    %dma_wait3A_276 = arith.constant 128 : i32
    %dma_wait3A_277 = tpu.memref_slice %arg10[%add3A_245, %dma_wait3A_276] : memref<16384x256xf32, #tpu.memory_space<hbm>> -> memref<128x64xf32, #tpu.memory_space<hbm>>
    tpu.wait_dma2 semaphore(%arg21 : memref<!tpu.dma_semaphore, #tpu.memory_space<semaphore_mem>>) src(%arg13 : memref<128x64xf32, #tpu.memory_space<vmem>>) dst(%dma_wait3A_277 : memref<128x64xf32, #tpu.memory_space<hbm>>)
    %dma_start3A_278 = arith.constant 3 : i32
    %dma_start3A_279 = arith.constant 128 : i32
    %dma_start3A_280 = tpu.memref_slice %arg11[%dma_start3A_278, %dma_start3A_279] : memref<4x512xi32, #tpu.memory_space<vmem>> -> memref<1x128xi32, #tpu.memory_space<vmem>>
    %dma_start3A_281 = tpu.memref_squeeze %dma_start3A_280 : memref<1x128xi32, #tpu.memory_space<vmem>> -> memref<128xi32, #tpu.memory_space<vmem>>
    %dma_start3A_282 = arith.constant 0 : i32
    %dma_start3A_283 = arith.constant 0 : i32
    %dma_start3A_284 = tpu.memref_slice %arg9[%dma_start3A_282, %dma_start3A_283] : memref<1000x64xf32, #tpu.memory_space<hbm>> -> memref<1000x64xf32, #tpu.memory_space<hbm>>
    tpu.enqueue_indirect_dma source(%dma_start3A_284 : memref<1000x64xf32, #tpu.memory_space<hbm>>) target(%arg13 : memref<128x64xf32, #tpu.memory_space<vmem>>) offsets(%dma_start3A_281 : memref<128xi32, #tpu.memory_space<vmem>>) semaphore(%arg17 : memref<!tpu.dma_semaphore, #tpu.memory_space<semaphore_mem>>)
    %dma_wait3A_285 = arith.constant 2 : i32
    %dma_wait3A_286 = arith.constant 384 : i32
    %dma_wait3A_287 = tpu.memref_slice %arg11[%dma_wait3A_285, %dma_wait3A_286] : memref<4x512xi32, #tpu.memory_space<vmem>> -> memref<1x128xi32, #tpu.memory_space<vmem>>
    %dma_wait3A_288 = tpu.memref_squeeze %dma_wait3A_287 : memref<1x128xi32, #tpu.memory_space<vmem>> -> memref<128xi32, #tpu.memory_space<vmem>>
    %dma_wait3A_289 = arith.constant 0 : i32
    %dma_wait3A_290 = arith.constant 0 : i32
    %dma_wait3A_291 = tpu.memref_slice %arg8[%dma_wait3A_289, %dma_wait3A_290] : memref<100000x64xf32, #tpu.memory_space<hbm>> -> memref<100000x64xf32, #tpu.memory_space<hbm>>
    tpu.wait_indirect_dma semaphore(%arg19 : memref<!tpu.dma_semaphore, #tpu.memory_space<semaphore_mem>>) src(%dma_wait3A_291 : memref<100000x64xf32, #tpu.memory_space<hbm>>) dst(%arg15 : memref<128x64xf32, #tpu.memory_space<vmem>>)
    %add3A_292 = arith.constant 384 : i32
    %add3A_293 = arith.addi %mul3A_2, %add3A_292 : i32
    %dma_start3A_294 = arith.constant 128 : i32
    %dma_start3A_295 = tpu.memref_slice %arg10[%add3A_293, %dma_start3A_294] : memref<16384x256xf32, #tpu.memory_space<hbm>> -> memref<128x64xf32, #tpu.memory_space<hbm>>
    %dma_start3A_296 = arith.constant 128 : i32
    %dma_start3A_297 = tpu.memref_slice %arg10[%add3A_293, %dma_start3A_296] : memref<16384x256xf32, #tpu.memory_space<hbm>> -> memref<128x64xf32, #tpu.memory_space<hbm>>
    tpu.enqueue_dma source(%arg15 : memref<128x64xf32, #tpu.memory_space<vmem>>) target(%dma_start3A_297 : memref<128x64xf32, #tpu.memory_space<hbm>>) target_semaphore(%arg23 : memref<!tpu.dma_semaphore, #tpu.memory_space<semaphore_mem>>)
    %dma_wait3A_298 = arith.constant 128 : i32
    %dma_wait3A_299 = tpu.memref_slice %arg10[%add3A_269, %dma_wait3A_298] : memref<16384x256xf32, #tpu.memory_space<hbm>> -> memref<128x64xf32, #tpu.memory_space<hbm>>
    %dma_wait3A_300 = arith.constant 128 : i32
    %dma_wait3A_301 = tpu.memref_slice %arg10[%add3A_269, %dma_wait3A_300] : memref<16384x256xf32, #tpu.memory_space<hbm>> -> memref<128x64xf32, #tpu.memory_space<hbm>>
    tpu.wait_dma2 semaphore(%arg22 : memref<!tpu.dma_semaphore, #tpu.memory_space<semaphore_mem>>) src(%arg14 : memref<128x64xf32, #tpu.memory_space<vmem>>) dst(%dma_wait3A_301 : memref<128x64xf32, #tpu.memory_space<hbm>>)
    %dma_start3A_302 = arith.constant 3 : i32
    %dma_start3A_303 = arith.constant 256 : i32
    %dma_start3A_304 = tpu.memref_slice %arg11[%dma_start3A_302, %dma_start3A_303] : memref<4x512xi32, #tpu.memory_space<vmem>> -> memref<1x128xi32, #tpu.memory_space<vmem>>
    %dma_start3A_305 = tpu.memref_squeeze %dma_start3A_304 : memref<1x128xi32, #tpu.memory_space<vmem>> -> memref<128xi32, #tpu.memory_space<vmem>>
    %dma_start3A_306 = arith.constant 0 : i32
    %dma_start3A_307 = arith.constant 0 : i32
    %dma_start3A_308 = tpu.memref_slice %arg9[%dma_start3A_306, %dma_start3A_307] : memref<1000x64xf32, #tpu.memory_space<hbm>> -> memref<1000x64xf32, #tpu.memory_space<hbm>>
    tpu.enqueue_indirect_dma source(%dma_start3A_308 : memref<1000x64xf32, #tpu.memory_space<hbm>>) target(%arg14 : memref<128x64xf32, #tpu.memory_space<vmem>>) offsets(%dma_start3A_305 : memref<128xi32, #tpu.memory_space<vmem>>) semaphore(%arg18 : memref<!tpu.dma_semaphore, #tpu.memory_space<semaphore_mem>>)
    %dma_wait3A_309 = arith.constant 3 : i32
    %dma_wait3A_310 = arith.constant 0 : i32
    %dma_wait3A_311 = tpu.memref_slice %arg11[%dma_wait3A_309, %dma_wait3A_310] : memref<4x512xi32, #tpu.memory_space<vmem>> -> memref<1x128xi32, #tpu.memory_space<vmem>>
    %dma_wait3A_312 = tpu.memref_squeeze %dma_wait3A_311 : memref<1x128xi32, #tpu.memory_space<vmem>> -> memref<128xi32, #tpu.memory_space<vmem>>
    %dma_wait3A_313 = arith.constant 0 : i32
    %dma_wait3A_314 = arith.constant 0 : i32
    %dma_wait3A_315 = tpu.memref_slice %arg9[%dma_wait3A_313, %dma_wait3A_314] : memref<1000x64xf32, #tpu.memory_space<hbm>> -> memref<1000x64xf32, #tpu.memory_space<hbm>>
    tpu.wait_indirect_dma semaphore(%arg16 : memref<!tpu.dma_semaphore, #tpu.memory_space<semaphore_mem>>) src(%dma_wait3A_315 : memref<1000x64xf32, #tpu.memory_space<hbm>>) dst(%arg12 : memref<128x64xf32, #tpu.memory_space<vmem>>)
    %add3A_316 = arith.constant 0 : i32
    %add3A_317 = arith.addi %mul3A_2, %add3A_316 : i32
    %dma_start3A_318 = arith.constant 192 : i32
    %dma_start3A_319 = tpu.memref_slice %arg10[%add3A_317, %dma_start3A_318] : memref<16384x256xf32, #tpu.memory_space<hbm>> -> memref<128x64xf32, #tpu.memory_space<hbm>>
    %dma_start3A_320 = arith.constant 192 : i32
    %dma_start3A_321 = tpu.memref_slice %arg10[%add3A_317, %dma_start3A_320] : memref<16384x256xf32, #tpu.memory_space<hbm>> -> memref<128x64xf32, #tpu.memory_space<hbm>>
    tpu.enqueue_dma source(%arg12 : memref<128x64xf32, #tpu.memory_space<vmem>>) target(%dma_start3A_321 : memref<128x64xf32, #tpu.memory_space<hbm>>) target_semaphore(%arg20 : memref<!tpu.dma_semaphore, #tpu.memory_space<semaphore_mem>>)
    %dma_wait3A_322 = arith.constant 128 : i32
    %dma_wait3A_323 = tpu.memref_slice %arg10[%add3A_293, %dma_wait3A_322] : memref<16384x256xf32, #tpu.memory_space<hbm>> -> memref<128x64xf32, #tpu.memory_space<hbm>>
    %dma_wait3A_324 = arith.constant 128 : i32
    %dma_wait3A_325 = tpu.memref_slice %arg10[%add3A_293, %dma_wait3A_324] : memref<16384x256xf32, #tpu.memory_space<hbm>> -> memref<128x64xf32, #tpu.memory_space<hbm>>
    tpu.wait_dma2 semaphore(%arg23 : memref<!tpu.dma_semaphore, #tpu.memory_space<semaphore_mem>>) src(%arg15 : memref<128x64xf32, #tpu.memory_space<vmem>>) dst(%dma_wait3A_325 : memref<128x64xf32, #tpu.memory_space<hbm>>)
    %dma_start3A_326 = arith.constant 3 : i32
    %dma_start3A_327 = arith.constant 384 : i32
    %dma_start3A_328 = tpu.memref_slice %arg11[%dma_start3A_326, %dma_start3A_327] : memref<4x512xi32, #tpu.memory_space<vmem>> -> memref<1x128xi32, #tpu.memory_space<vmem>>
    %dma_start3A_329 = tpu.memref_squeeze %dma_start3A_328 : memref<1x128xi32, #tpu.memory_space<vmem>> -> memref<128xi32, #tpu.memory_space<vmem>>
    %dma_start3A_330 = arith.constant 0 : i32
    %dma_start3A_331 = arith.constant 0 : i32
    %dma_start3A_332 = tpu.memref_slice %arg9[%dma_start3A_330, %dma_start3A_331] : memref<1000x64xf32, #tpu.memory_space<hbm>> -> memref<1000x64xf32, #tpu.memory_space<hbm>>
    tpu.enqueue_indirect_dma source(%dma_start3A_332 : memref<1000x64xf32, #tpu.memory_space<hbm>>) target(%arg15 : memref<128x64xf32, #tpu.memory_space<vmem>>) offsets(%dma_start3A_329 : memref<128xi32, #tpu.memory_space<vmem>>) semaphore(%arg19 : memref<!tpu.dma_semaphore, #tpu.memory_space<semaphore_mem>>)
    %dma_wait3A_333 = arith.constant 3 : i32
    %dma_wait3A_334 = arith.constant 128 : i32
    %dma_wait3A_335 = tpu.memref_slice %arg11[%dma_wait3A_333, %dma_wait3A_334] : memref<4x512xi32, #tpu.memory_space<vmem>> -> memref<1x128xi32, #tpu.memory_space<vmem>>
    %dma_wait3A_336 = tpu.memref_squeeze %dma_wait3A_335 : memref<1x128xi32, #tpu.memory_space<vmem>> -> memref<128xi32, #tpu.memory_space<vmem>>
    %dma_wait3A_337 = arith.constant 0 : i32
    %dma_wait3A_338 = arith.constant 0 : i32
    %dma_wait3A_339 = tpu.memref_slice %arg9[%dma_wait3A_337, %dma_wait3A_338] : memref<1000x64xf32, #tpu.memory_space<hbm>> -> memref<1000x64xf32, #tpu.memory_space<hbm>>
    tpu.wait_indirect_dma semaphore(%arg17 : memref<!tpu.dma_semaphore, #tpu.memory_space<semaphore_mem>>) src(%dma_wait3A_339 : memref<1000x64xf32, #tpu.memory_space<hbm>>) dst(%arg13 : memref<128x64xf32, #tpu.memory_space<vmem>>)
    %add3A_340 = arith.constant 128 : i32
    %add3A_341 = arith.addi %mul3A_2, %add3A_340 : i32
    %dma_start3A_342 = arith.constant 192 : i32
    %dma_start3A_343 = tpu.memref_slice %arg10[%add3A_341, %dma_start3A_342] : memref<16384x256xf32, #tpu.memory_space<hbm>> -> memref<128x64xf32, #tpu.memory_space<hbm>>
    %dma_start3A_344 = arith.constant 192 : i32
    %dma_start3A_345 = tpu.memref_slice %arg10[%add3A_341, %dma_start3A_344] : memref<16384x256xf32, #tpu.memory_space<hbm>> -> memref<128x64xf32, #tpu.memory_space<hbm>>
    tpu.enqueue_dma source(%arg13 : memref<128x64xf32, #tpu.memory_space<vmem>>) target(%dma_start3A_345 : memref<128x64xf32, #tpu.memory_space<hbm>>) target_semaphore(%arg21 : memref<!tpu.dma_semaphore, #tpu.memory_space<semaphore_mem>>)
    %dma_wait3A_346 = arith.constant 3 : i32
    %dma_wait3A_347 = arith.constant 256 : i32
    %dma_wait3A_348 = tpu.memref_slice %arg11[%dma_wait3A_346, %dma_wait3A_347] : memref<4x512xi32, #tpu.memory_space<vmem>> -> memref<1x128xi32, #tpu.memory_space<vmem>>
    %dma_wait3A_349 = tpu.memref_squeeze %dma_wait3A_348 : memref<1x128xi32, #tpu.memory_space<vmem>> -> memref<128xi32, #tpu.memory_space<vmem>>
    %dma_wait3A_350 = arith.constant 0 : i32
    %dma_wait3A_351 = arith.constant 0 : i32
    %dma_wait3A_352 = tpu.memref_slice %arg9[%dma_wait3A_350, %dma_wait3A_351] : memref<1000x64xf32, #tpu.memory_space<hbm>> -> memref<1000x64xf32, #tpu.memory_space<hbm>>
    tpu.wait_indirect_dma semaphore(%arg18 : memref<!tpu.dma_semaphore, #tpu.memory_space<semaphore_mem>>) src(%dma_wait3A_352 : memref<1000x64xf32, #tpu.memory_space<hbm>>) dst(%arg14 : memref<128x64xf32, #tpu.memory_space<vmem>>)
    %add3A_353 = arith.constant 256 : i32
    %add3A_354 = arith.addi %mul3A_2, %add3A_353 : i32
    %dma_start3A_355 = arith.constant 192 : i32
    %dma_start3A_356 = tpu.memref_slice %arg10[%add3A_354, %dma_start3A_355] : memref<16384x256xf32, #tpu.memory_space<hbm>> -> memref<128x64xf32, #tpu.memory_space<hbm>>
    %dma_start3A_357 = arith.constant 192 : i32
    %dma_start3A_358 = tpu.memref_slice %arg10[%add3A_354, %dma_start3A_357] : memref<16384x256xf32, #tpu.memory_space<hbm>> -> memref<128x64xf32, #tpu.memory_space<hbm>>
    tpu.enqueue_dma source(%arg14 : memref<128x64xf32, #tpu.memory_space<vmem>>) target(%dma_start3A_358 : memref<128x64xf32, #tpu.memory_space<hbm>>) target_semaphore(%arg22 : memref<!tpu.dma_semaphore, #tpu.memory_space<semaphore_mem>>)
    %dma_wait3A_359 = arith.constant 3 : i32
    %dma_wait3A_360 = arith.constant 384 : i32
    %dma_wait3A_361 = tpu.memref_slice %arg11[%dma_wait3A_359, %dma_wait3A_360] : memref<4x512xi32, #tpu.memory_space<vmem>> -> memref<1x128xi32, #tpu.memory_space<vmem>>
    %dma_wait3A_362 = tpu.memref_squeeze %dma_wait3A_361 : memref<1x128xi32, #tpu.memory_space<vmem>> -> memref<128xi32, #tpu.memory_space<vmem>>
    %dma_wait3A_363 = arith.constant 0 : i32
    %dma_wait3A_364 = arith.constant 0 : i32
    %dma_wait3A_365 = tpu.memref_slice %arg9[%dma_wait3A_363, %dma_wait3A_364] : memref<1000x64xf32, #tpu.memory_space<hbm>> -> memref<1000x64xf32, #tpu.memory_space<hbm>>
    tpu.wait_indirect_dma semaphore(%arg19 : memref<!tpu.dma_semaphore, #tpu.memory_space<semaphore_mem>>) src(%dma_wait3A_365 : memref<1000x64xf32, #tpu.memory_space<hbm>>) dst(%arg15 : memref<128x64xf32, #tpu.memory_space<vmem>>)
    %add3A_366 = arith.constant 384 : i32
    %add3A_367 = arith.addi %mul3A_2, %add3A_366 : i32
    %dma_start3A_368 = arith.constant 192 : i32
    %dma_start3A_369 = tpu.memref_slice %arg10[%add3A_367, %dma_start3A_368] : memref<16384x256xf32, #tpu.memory_space<hbm>> -> memref<128x64xf32, #tpu.memory_space<hbm>>
    %dma_start3A_370 = arith.constant 192 : i32
    %dma_start3A_371 = tpu.memref_slice %arg10[%add3A_367, %dma_start3A_370] : memref<16384x256xf32, #tpu.memory_space<hbm>> -> memref<128x64xf32, #tpu.memory_space<hbm>>
    tpu.enqueue_dma source(%arg15 : memref<128x64xf32, #tpu.memory_space<vmem>>) target(%dma_start3A_371 : memref<128x64xf32, #tpu.memory_space<hbm>>) target_semaphore(%arg23 : memref<!tpu.dma_semaphore, #tpu.memory_space<semaphore_mem>>)
    %dma_wait3A_372 = arith.constant 192 : i32
    %dma_wait3A_373 = tpu.memref_slice %arg10[%add3A_317, %dma_wait3A_372] : memref<16384x256xf32, #tpu.memory_space<hbm>> -> memref<128x64xf32, #tpu.memory_space<hbm>>
    %dma_wait3A_374 = arith.constant 192 : i32
    %dma_wait3A_375 = tpu.memref_slice %arg10[%add3A_317, %dma_wait3A_374] : memref<16384x256xf32, #tpu.memory_space<hbm>> -> memref<128x64xf32, #tpu.memory_space<hbm>>
    tpu.wait_dma2 semaphore(%arg20 : memref<!tpu.dma_semaphore, #tpu.memory_space<semaphore_mem>>) src(%arg12 : memref<128x64xf32, #tpu.memory_space<vmem>>) dst(%dma_wait3A_375 : memref<128x64xf32, #tpu.memory_space<hbm>>)
    %dma_wait3A_376 = arith.constant 192 : i32
    %dma_wait3A_377 = tpu.memref_slice %arg10[%add3A_341, %dma_wait3A_376] : memref<16384x256xf32, #tpu.memory_space<hbm>> -> memref<128x64xf32, #tpu.memory_space<hbm>>
    %dma_wait3A_378 = arith.constant 192 : i32
    %dma_wait3A_379 = tpu.memref_slice %arg10[%add3A_341, %dma_wait3A_378] : memref<16384x256xf32, #tpu.memory_space<hbm>> -> memref<128x64xf32, #tpu.memory_space<hbm>>
    tpu.wait_dma2 semaphore(%arg21 : memref<!tpu.dma_semaphore, #tpu.memory_space<semaphore_mem>>) src(%arg13 : memref<128x64xf32, #tpu.memory_space<vmem>>) dst(%dma_wait3A_379 : memref<128x64xf32, #tpu.memory_space<hbm>>)
    %dma_wait3A_380 = arith.constant 192 : i32
    %dma_wait3A_381 = tpu.memref_slice %arg10[%add3A_354, %dma_wait3A_380] : memref<16384x256xf32, #tpu.memory_space<hbm>> -> memref<128x64xf32, #tpu.memory_space<hbm>>
    %dma_wait3A_382 = arith.constant 192 : i32
    %dma_wait3A_383 = tpu.memref_slice %arg10[%add3A_354, %dma_wait3A_382] : memref<16384x256xf32, #tpu.memory_space<hbm>> -> memref<128x64xf32, #tpu.memory_space<hbm>>
    tpu.wait_dma2 semaphore(%arg22 : memref<!tpu.dma_semaphore, #tpu.memory_space<semaphore_mem>>) src(%arg14 : memref<128x64xf32, #tpu.memory_space<vmem>>) dst(%dma_wait3A_383 : memref<128x64xf32, #tpu.memory_space<hbm>>)
    %dma_wait3A_384 = arith.constant 192 : i32
    %dma_wait3A_385 = tpu.memref_slice %arg10[%add3A_367, %dma_wait3A_384] : memref<16384x256xf32, #tpu.memory_space<hbm>> -> memref<128x64xf32, #tpu.memory_space<hbm>>
    %dma_wait3A_386 = arith.constant 192 : i32
    %dma_wait3A_387 = tpu.memref_slice %arg10[%add3A_367, %dma_wait3A_386] : memref<16384x256xf32, #tpu.memory_space<hbm>> -> memref<128x64xf32, #tpu.memory_space<hbm>>
    tpu.wait_dma2 semaphore(%arg23 : memref<!tpu.dma_semaphore, #tpu.memory_space<semaphore_mem>>) src(%arg15 : memref<128x64xf32, #tpu.memory_space<vmem>>) dst(%dma_wait3A_387 : memref<128x64xf32, #tpu.memory_space<hbm>>)
    return
  }
}

</mosaic_0001>

<sc_bundles>
// kernel: kernel.3.cloned.1.call-start
scs
__scs_entry_jumppad:
0x0: {  	(pc) =	sbr.rel $0x88, $3  }
0x1: {  	(tag) =	ssettag $0x0;
	lr =	simm.s32 $0x1  }
0x2: {  	[smem:$0x3F99] =	sst lr;
	_ =	strace $0xD0000000  }
0x3: {  	_ = 	snop  }
0x4: {  	_ = 	snop  }
0x5: {  	_ = 	snop  }
0x6: {  	_ = 	snop  }
0x7: {  	_ = 	snop  }
__scs_overlays_trampoline_lowered:
0x8: {  	[smem:$0x3FA8] =	sst s0  }
0x9: {  	[smem:$0x3FA9] =	sst s1  }
0xa: {  	[smem:$0x3FAA] =	sst s2  }
0xb: {  	[smem:$0x3FAB] =	sst s3  }
0xc: {  	[smem:$0x3FAC] =	sst s4  }
0xd: {  	[smem:$0x3FAD] =	sst s5  }
0xe: {  	[smem:$0x3FAE] =	sst s6  }
0xf: {  	[smem:$0x3FAF] =	sst s7  }
0x10: {  	[smem:$0x3FB0] =	sst s8  }
0x11: {  	[smem:$0x3FB1] =	sst s9;
	s0 =	simm.s32 @!p0 $0x0  }
0x12: {  	s1 =	sld [smem:$0x3F97];
	s0 =	simm.s32 @p0 $0x1  }
0x13: {  	[smem:$0x3FB2] =	sst s0;
	s0 =	simm.s32 @!p1 $0x0  }
0x14: {  	s2 =	sld [smem:$0x3F96];
	s0 =	simm.s32 @p1 $0x1  }
0x15: {  	[smem:$0x3FB3] =	sst s0;
	s0 =	simm.s32 @!p2 $0x0  }
0x16: {  	s3 =	sld [smem:$0x3FDB];
	s0 =	simm.s32 @p2 $0x1  }
0x17: {  	s4 =	simm.s32 $0x1BF5;
	[smem:$0x3FB5] =	sst s0  }
0x18: {  	s0 =	sld [smem:$0x3F98];
	_ =	swait.ge [sflag:s4], $0x0  }
0x19: {  	s7 =	sld [smem:$0x3F99]  }
0x1a: {  	s8 =	sadd.s32 $0xFFFFE003, lr  }
0x1b: {  	s9 =	sadd.s32 $0xFFFFFEF7, lr;
	s5 =	simm.s32 $0xFFFFFFFF;
	p2 =	slt.u32 s8, $0xFFFFF086  }
0x1c: {  	p1 =	slt.u32 s9, $0xF7A;
	s5 =	simm.s32 @!p2 $0x0  }
0x1d: {  	s5 =	simm.s32 @p1 $0x1;
	p0 =	seq.s32 s7, s2  }
0x1e: {  	s7 =	smul.u32 @!p0 $0xF7A, s2;
	p2 =	seq.s32 @!p0 s5, $0x0  }
0x1f: {  	s9 =	smul.u32 $0xF7A, s1;
	s8 =	simm.s32 @!p0 $0x1BF5;
	p2 =	por !p2, p0  }
0x20: {  	[sflag:s8] =	ssyncset.s32 @!p0 $0xFFFFF086;
	s6 =	sadd.s32 @!p0 s3, s7;
	s7 =	simm.s32 @!p0 $0x108  }
0x21: {  	s3 =	sadd.s32 s3, s9;
	s6 =	sadd.s32 @!p0 $0x88, s6;
	s7 =	simm.s32 @p2 $0x1082  }
0x22: {  	[simem:s7], [sflag:s8] =	dma.local @!p0 [hbm:s6], $0xF7A  }
0x23: {  	s9 =	sor.u32 $0xD0000000, s2;
	s6 =	simm.s32 $0x108;
	_ =	swait.ge @!p0 [sflag:s8], $0x0  }
0x24: {  	s3 =	sadd.s32 $0x88, s3;
	s6 =	simm.s32 @!p1 $0x1082;
	[sflag:s4] =	ssyncset.s32 $0xFFFFF086  }
0x25: {  	[simem:s6], [sflag:s4] =	dma.local [hbm:s3], $0xF7A  }
0x26: {  	[smem:$0x3F99] =	sst s1;
	(tag) =	ssettag s2;
	_ =	strace s9  }
0x27: {  	s1 =	sld [smem:$0x3FA9]  }
0x28: {  	s2 =	sld [smem:$0x3FAA]  }
0x29: {  	s4 =	sld [smem:$0x3FAC]  }
0x2a: {  	p0 =	seq.s32 s5, $0x0;
	s5 =	sld [smem:$0x3FAD]  }
0x2b: {  	s6 =	sld [smem:$0x3FAE]  }
0x2c: {  	s7 =	sld [smem:$0x3FAF]  }
0x2d: {  	s3 =	simm.s32 $0x108;
	s8 =	sld [smem:$0x3FB0]  }
0x2e: {  	s3 =	simm.s32 @!p0 $0x1082;
	s9 =	sld [smem:$0x3FB1]  }
0x2f: {  	lr =	sadd.s32 s0, s3;
	s0 =	sld [smem:$0x3FA8]  }
0x30: {  	s3 =	sld [smem:$0x3FAB]  }
0x31: {  	[smem:$0x3FB4] =	sst s10  }
0x32: {  	s10 =	sld [smem:$0x3FB2];
	_ =	sdelay $0x3  }
0x33: {  	p0 =	seq.s32 s10, $0x1;
	s10 =	sld [smem:$0x3FB4];
	_ =	sdelay $0x3  }
0x34: {  	[smem:$0x3FB4] =	sst s10  }
0x35: {  	s10 =	sld [smem:$0x3FB3];
	_ =	sdelay $0x3  }
0x36: {  	p1 =	seq.s32 s10, $0x1;
	s10 =	sld [smem:$0x3FB4];
	_ =	sdelay $0x3  }
0x37: {  	[smem:$0x3FB4] =	sst s10  }
0x38: {  	s10 =	sld [smem:$0x3FB5]  }
0x39: {  	_ = 	snop;
	(pc) =	sbr.ind lr, $3  }
0x3a: {  	_ = 	snop  }
0x3b: {  	_ = 	snop  }
0x3c: {  	p2 =	seq.s32 s10, $0x1;
	s10 =	sld [smem:$0x3FB4]  }
0x3d: {  	_ =	shalt  }
0x3e: {  	_ =	shalt  }
0x3f: {  	_ =	shalt  }
0x40: {  	_ =	shalt  }
0x41: {  	_ =	shalt  }
0x42: {  	_ =	shalt  }
0x43: {  	_ =	shalt  }
0x44: {  	_ =	shalt  }
0x45: {  	_ =	shalt  }
0x46: {  	_ =	shalt  }
0x47: {  	_ =	shalt  }
0x48: {  	_ =	shalt  }
0x49: {  	_ =	shalt  }
0x4a: {  	_ =	shalt  }
0x4b: {  	_ =	shalt  }
0x4c: {  	_ =	shalt  }
0x4d: {  	_ =	shalt  }
0x4e: {  	_ =	shalt  }
0x4f: {  	_ =	shalt  }
0x50: {  	_ =	shalt  }
0x51: {  	_ =	shalt  }
0x52: {  	_ =	shalt  }
0x53: {  	_ =	shalt  }
0x54: {  	_ =	shalt  }
0x55: {  	_ =	shalt  }
0x56: {  	_ =	shalt  }
0x57: {  	_ =	shalt  }
0x58: {  	_ =	shalt  }
0x59: {  	_ =	shalt  }
0x5a: {  	_ =	shalt  }
0x5b: {  	_ =	shalt  }
0x5c: {  	_ =	shalt  }
0x5d: {  	_ =	shalt  }
0x5e: {  	_ =	shalt  }
0x5f: {  	_ =	shalt  }
0x60: {  	_ =	shalt  }
0x61: {  	_ =	shalt  }
0x62: {  	_ =	shalt  }
0x63: {  	_ =	shalt  }
0x64: {  	_ =	shalt  }
0x65: {  	_ =	shalt  }
0x66: {  	_ =	shalt  }
0x67: {  	_ =	shalt  }
0x68: {  	_ =	shalt  }
0x69: {  	_ =	shalt  }
0x6a: {  	_ =	shalt  }
0x6b: {  	_ =	shalt  }
0x6c: {  	_ =	shalt  }
0x6d: {  	_ =	shalt  }
0x6e: {  	_ =	shalt  }
0x6f: {  	_ =	shalt  }
0x70: {  	_ =	shalt  }
0x71: {  	_ =	shalt  }
0x72: {  	_ =	shalt  }
0x73: {  	_ =	shalt  }
0x74: {  	_ =	shalt  }
0x75: {  	_ =	shalt  }
0x76: {  	_ =	shalt  }
0x77: {  	_ =	shalt  }
0x78: {  	_ =	shalt  }
0x79: {  	_ =	shalt  }
0x7a: {  	_ =	shalt  }
0x7b: {  	_ =	shalt  }
0x7c: {  	_ =	shalt  }
0x7d: {  	_ =	shalt  }
0x7e: {  	_ =	shalt  }
0x7f: {  	_ =	shalt  }
0x80: {  	_ =	shalt  }
0x81: {  	_ =	shalt  }
0x82: {  	_ =	shalt  }
0x83: {  	_ =	shalt  }
0x84: {  	_ =	shalt  }
0x85: {  	_ =	shalt  }
0x86: {  	_ =	shalt  }
0x87: {  	_ =	shalt  }
.Lfunc_end0:
.L_simem_size_0:
called_computation_lowered:
.L_overlay_start_0:
0x88: {  	s2 =	sld [smem:$0x3FD9]  }
0x89: {  	s3 =	sld [smem:$0x3FFE];
	_ =	sdelay $0x1  }
0x8a: {  	s1 =	srdreg.scid  }
0x8b: {  	s0 =	sand.u32 $0x1, s1  }
0x8c: {  	s17 =	sshll.u32 s0, $0xA;
	s2 =	sadd.s32 s3, s2  }
0x8d: {  	s2 =	sadd.s32 s2, s17  }
0x8e: {  	[smem:$0x3FC0] =	sst s2  }
0x8f: {  	_ = 	snop  }
0x90: {  	s2 =	sld [smem:$0x3FC9]  }
0x91: {  	s18 =	sld [smem:$0x3FC8]  }
0x92: {  	s4 =	sld [smem:$0x3FC7]  }
0x93: {  	s5 =	sld [smem:$0x3FC6]  }
0x94: {  	s6 =	sld [smem:$0x3FD0];
	(tm) =	ssettm $0x1  }
0x95: {  	s7 =	sld [smem:$0x3FFB];
	_ =	sdelay $0x3  }
0x96: {  	_ =	strace s7  }
0x97: {  	s7 =	sld [smem:$0x3FFC];
	_ =	sdelay $0x3  }
0x98: {  	_ =	strace s7  }
0x99: {  	s7 =	sld [smem:$0x3FFD];
	_ =	sdelay $0x3  }
0x9a: {  	_ =	strace s7  }
0x9b: {  	_ =	strace $0x8FFFFFFF  }
0x9c: {  	s19 =	sld [smem:$0x3FDB];
	_ =	sdelay $0x1  }
0x9d: {  	s8 =	simm.s32 $_scs_section_size  }
0x9e: {  	s9 =	simm.s32 $_size__tile_overlayer_lowered;
	s10 =	simm.s32 $_tile_overlayer_lowered  }
0x9f: {  	s22 =	simm.s32 $0x1BFF;
	s21 =	sshll.u32 s10, $0x1;
	s7 =	sadd.s32 s8, s19  }
0xa0: {  	s11 =	simm.s32 $0x0;
	s20 =	sshll.u32 s9, $0x1;
	s9 =	sadd.s32 s21, s7  }
0xa1: {  	[timem:s11], [sflag:s22] =	dma.local [hbm:s9], s20  }
0xa2: {  	_ =	swait.ge [sflag:s22], s20  }
0xa3: {  	s8 =	ssub.s32 $0x0, s20;
	[sflag:s22] =	ssyncset.done $0x0  }
0xa4: {  	[sflag:s22] =	ssyncadd.s32 s8;
	_ =	sdelay $0x1  }
0xa5: {  	s23 =	simm.s32 $0x1B8B  }
0xa6: {  	_ =	swait.ge [sflag:s23], $0x1  }
0xa7: {  	[sflag:s23] =	ssyncset.done $0x0  }
0xa8: {  	s25 =	simm.s32 $0x1B8E;
	s24 =	sld [smem:$0x3FFE];
	[sflag:s23] =	ssyncadd.s32 $0xFFFFFFFF  }
0xa9: {  	s26 =	simm.s32 $execute0_lowered;
	[smem:$0x3FD2] =	sst s25  }
0xaa: {  	s9 =	sshll.u32 s26, $0x1;
	_ =	strace $0x80000046;
	[dreg:$0x1] =	wrdreg $0xFFFFFFFF  }
0xab: {  	s28 =	simm.s32 $_size_execute0_lowered;
	s7 =	sadd.s32 s7, s9;
	[dreg:$0x0] =	wrdreg $0x0  }
0xac: {  	s9 =	sshll.u32 s28, $0x1;
	[dreg:$0x2] =	wrdreg s7  }
0xad: {  	[dreg:$0x3] =	wrdreg s9  }
0xae: {  	[dreg:$0x4] =	wrdreg $0xC0  }
0xaf: {  	_ =	task [dreg:s11], $0x5FFFF  }
0xb0: {  	[dreg:$0x1] =	wrdreg $0xFFFFFFFF  }
0xb1: {  	[dreg:$0x0] =	wrdreg $0x60  }
0xb2: {  	[dreg:$0x2] =	wrdreg s2  }
0xb3: {  	[dreg:$0x3] =	wrdreg s18  }
0xb4: {  	[dreg:$0x4] =	wrdreg s4  }
0xb5: {  	[dreg:$0x5] =	wrdreg s5  }
0xb6: {  	[dreg:$0x6] =	wrdreg s24  }
0xb7: {  	[dreg:$0x7] =	wrdreg s6  }
0xb8: {  	[dreg:$0x8] =	wrdreg $0x9  }
0xb9: {  	_ =	task.clear_ibuf [dreg:s11], $0x9FFFF;
	_ =	strace $0x90000046  }
0xba: {  	s29 =	simm.s32 $0x9;
	_ =	strace $0x80000048  }
0xbb: {  	_ =	swait.ge [sflag:s29], $0x1  }
0xbc: {  	[sflag:s29] =	ssyncadd.s32 $0xFFFFFFFF  }
0xbd: {  	_ =	strace $0x90000048  }
0xbe: {  	_ =	sfence  }
0xbf: {  	s30 =	sld [smem:$0x0];
	_ =	sdelay $0x2  }
0xc0: {  	s31 =	sshll.u32 s1, $0xD;
	s1 =	sshrl.u32 s1, $0x2  }
0xc1: {  	s3 =	sand.u32 $0x4000, s31;
	s1 =	sadd.s32 s1, s30  }
0xc2: {  	s0 =	sor.u32 s3, s0;
	s1 =	sshll.u32 s1, $0x11  }
0xc3: {  	s0 =	sor.u32 s1, s0  }
0xc4: {  	s0 =	sadd.s32 $0x8F2B, s0  }
0xc5: {  	[sflag:s0] =	ssyncadd.remote.s32 $0x1  }
0xc6: {  	_ =	sfence.sel $0xFFFF  }
0xc7: {  	[dreg:$0x0] =	wrdreg $0xFFFFFFFF;
	(pc) =	sbr.abs _section_cstart, $3  }
0xc8: {  	[dreg:$0x1] =	wrdreg $0xFFFFFFFF  }
0xc9: {  	_ =	task.clear_ibuf [dreg:s11], $0x2FFFF;
	_ =	strace $0x9FFFFFFF  }
0xca: {  	(tm) =	ssettm $0x7FFFFFFF  }
0xcb: {  	_ =	shalt  }
tec
execute0_lowered:
.L_overlay_start_1:
0x0: {  	(tag) =	ssettag $0x1  }
0x1: {  	s0 =	rddreg [dreg:$0x0]  }
0x2: {  	s1 =	rddreg [dreg:$0x1];
	s2 =	srdreg.scid  }
0x3: {  	s3 =	rddreg [dreg:$0x2];
	s20 =	stileid.u32;
	s6 =	sand.u32 $0x1, s2  }
0x4: {  	s4 =	rddreg [dreg:$0x3];
	s7 =	sshll.u32 s20, $0xA;
	s8 =	sshll.u32 s6, $0x9  }
0x5: {  	s5 =	rddreg [dreg:$0x4];
	s7 =	sor.u32 s8, s7  }
0x6: {  	s25 =	simm.s32 $0x0;
	s2 =	rddreg [dreg:$0x5];
	s8 =	sshrl.u32 s7, $0x3  }
0x7: {  	[smem:$0x7FF] =	sst s25;
	s0 =	sadd.s32 s0, s8  }
0x8: {  	_ =	strace $0x80000047;
	s9 =	sadd.s32 s1, s8;
	[dreg:$0x7] =	wrdreg s0  }
0x9: {  	s10 =	sshll.u32 s7, $0x5;
	s11 =	sadd.s32 s3, s8;
	[dreg:$0x8] =	wrdreg s9  }
0xa: {  	s1 =	sadd.s32 s10, s5;
	s12 =	sadd.s32 s4, s8;
	[dreg:$0x9] =	wrdreg s11  }
0xb: {  	[dreg:$0xa] =	wrdreg s12;
	s13 =	sadd.s32 $0x2200, s1  }
0xc: {  	s14 =	sadd.s32 $0x3200, s1;
	[dreg:$0xb] =	wrdreg s13  }
0xd: {  	s15 =	sadd.s32 $0x4200, s1;
	[dreg:$0xc] =	wrdreg s14  }
0xe: {  	s16 =	sadd.s32 $0x5200, s1;
	[dreg:$0xd] =	wrdreg s15  }
0xf: {  	s17 =	sadd.s32 $0x2208, s1;
	[dreg:$0xe] =	wrdreg s16  }
0x10: {  	s18 =	sadd.s32 $0x3208, s1;
	[dreg:$0xf] =	wrdreg s17  }
0x11: {  	s31 =	simm.s32 $0x9;
	s19 =	sadd.s32 $0x4208, s1;
	[dreg:$0x10] =	wrdreg s18  }
0x12: {  	s30 =	simm.s32 $0x200;
	s21 =	sadd.s32 $0x5208, s1;
	[dreg:$0x11] =	wrdreg s19  }
0x13: {  	p0 =	por $0x0, $0x0;
	s22 =	sadd.s32 $0x2210, s1;
	[dreg:$0x12] =	wrdreg s21  }
0x14: {  	s28 =	simm.s32 $0x580;
	s23 =	sadd.s32 $0x3210, s1;
	[dreg:$0x13] =	wrdreg s22  }
0x15: {  	s29 =	sadd.s32 $0x30F800, s5;
	s24 =	sadd.s32 $0x4210, s1;
	[dreg:$0x14] =	wrdreg s23  }
0x16: {  	s7 =	ssub.s32 $0x2, s6;
	s26 =	sadd.s32 $0x5210, s1;
	[dreg:$0x15] =	wrdreg s24  }
0x17: {  	s6 =	simm.s32 $0x4800;
	s3 =	sadd.s32 $0x2218, s1;
	[dreg:$0x16] =	wrdreg s26  }
0x18: {  	s4 =	sadd.s32 $0x3218, s1;
	s8 =	sadd.s32 $0x4218, s1;
	[dreg:$0x17] =	wrdreg s3  }
0x19: {  	s9 =	sshrl.u32 s7, $0x1;
	s10 =	sadd.s32 $0x5218, s1;
	[dreg:$0x18] =	wrdreg s4  }
0x1a: {  	s23 =	sadd.s32 $0x24C200, s5;
	[dreg:$0x19] =	wrdreg s8;
	s19 =	sadd.s32 $0x188C00, s5  }
0x1b: {  	s11 =	ssub.s32 s7, s9;
	[dreg:$0x1a] =	wrdreg s10;
	s24 =	simm.s32 $0x400  }
0x1c: {  	s18 =	simm.s32 $0x600;
	s14 =	simm.s32 $0x800;
	s9 =	simm.s32 $0x2800  }
0x1d: {  	s3 =	simm.s32 $0x100;
	s17 =	simm.s32 $0x1;
	s13 =	simm.s32 $0x180  }
0x1e: {  	s4 =	simm.s32 $0x40;
	s7 =	simm.s32 $0x6800;
	s16 =	simm.s32 $0x2  }
0x1f: {  	s5 =	simm.s32 $0x5;
	s15 =	simm.s32 $0x280;
	s21 =	simm.s32 $0x300  }
0x20: {  	s8 =	simm.s32 $0x6;
	s0 =	rddreg [dreg:$0x7];
	s12 =	smax.u32 s11, $0x1  }
0x21: {  	s22 =	simm.s32 $0x380;
	[dreg:$0x1b] =	wrdreg s13;
	p1 =	sne.s32 s12, $0x1  }
.Ltmp0:
0x22: {  	s26 =	simm.s32 $0x480;
	[dreg:$0x1c] =	wrdreg s15;
	(pc) =	sbr.rel @!p1 .LBB2_1-.Ltmp0, $4  }
0x23: {  	s10 =	simm.s32 $0x7;
	s11 =	simm.s32 $0x80;
	[dreg:$0x1d] =	wrdreg s21  }
0x24: {  	s13 =	simm.s32 $0x3;
	s15 =	simm.s32 $0x4;
	[dreg:$0x1e] =	wrdreg s22  }
0x25: {  	[dreg:$0x1f] =	wrdreg s26;
	s26 =	simm.s32 $0x680;
	s22 =	simm.s32 $0x700  }
0x26: {  	s21 =	simm.s32 $0x780;
	s1 =	sadd.s32 $0xFFFFFFFF, s12;
	s12 =	simm.s32 $0x8  }
0x27: {  	[tilespmem:s25], [sflag:$0x9] =	stream.linear.gather [hbm4b:s0+s25], $0x200, $0x38;
	[tilespmem:$0x8800] =	vst v63  }
0x28: {  	_ =	swait.ge [sflag:s31], $0x200  }
0x29: {  	[sflag:s31] =	ssyncset.done $0x0  }
0x2a: {  	s20 =	rddreg [dreg:$0x8];
	[sflag:s31] =	ssyncadd.s32 $0xFFFFFE00  }
0x2b: {  	[tilespmem:s30], [sflag:$0x9] =	stream.linear.gather [hbm4b:s20+s25], $0x200, $0x38;
	[tilespmem:$0x8800] =	vst v63  }
0x2c: {  	_ =	swait.ge [sflag:s31], $0x200  }
0x2d: {  	[sflag:s31] =	ssyncset.done $0x0  }
0x2e: {  	s20 =	rddreg [dreg:$0x9];
	[sflag:s31] =	ssyncadd.s32 $0xFFFFFE00  }
0x2f: {  	[tilespmem:s24], [sflag:$0x9] =	stream.linear.gather [hbm4b:s20+s25], $0x200, $0x38;
	[tilespmem:$0x8800] =	vst v63  }
0x30: {  	_ =	swait.ge [sflag:s31], $0x200  }
0x31: {  	[sflag:s31] =	ssyncset.done $0x0  }
0x32: {  	s20 =	rddreg [dreg:$0xa];
	[sflag:s31] =	ssyncadd.s32 $0xFFFFFE00  }
0x33: {  	[tilespmem:s18], [sflag:$0x9] =	stream.linear.gather [hbm4b:s20+s25], $0x200, $0x38;
	[tilespmem:$0x8800] =	vst v63  }
0x34: {  	_ =	swait.ge [sflag:s31], $0x200  }
0x35: {  	[sflag:s31] =	ssyncset.done $0x0  }
0x36: {  	[sflag:s31] =	ssyncadd.s32 $0xFFFFFE00  }
0x37: {  	[tilespmem:s14], [sflag:$0x1] =	stream.indirect.gather [hbm4b:s29+s11], $0x40, s25, s11, $0xb8;
	[tilespmem:$0x8800] =	vst v63  }
0x38: {  	_ = 	snop  }
0x39: {  	[tilespmem:s9], [sflag:$0x2] =	stream.indirect.gather [hbm4b:s29+s11], $0x40, s11, s11, $0xb8;
	[tilespmem:$0x8800] =	vst v63  }
0x3a: {  	_ = 	snop  }
0x3b: {  	[tilespmem:s6], [sflag:$0x3] =	stream.indirect.gather [hbm4b:s29+s11], $0x40, s3, s11, $0xb8;
	[tilespmem:$0x8800] =	vst v63  }
0x3c: {  	_ =	swait.ge [sflag:s17], $0x2000  }
0x3d: {  	[sflag:s17] =	ssyncset.done $0x0  }
0x3e: {  	s0 =	rddreg [dreg:$0xb];
	[sflag:s17] =	ssyncadd.s32 $0xFFFFE000  }
0x3f: {  	[hbm4b:s0+s4] =	stream.strided.scatter [tilespmem:s14], [sflag:$0x5], $0x2000, s3, s4, $0x38;
	[tilespmem:$0x8800] =	vst v63  }
0x40: {  	s20 =	smov.u32 s1;
	s1 =	rddreg [dreg:$0x1b]  }
0x41: {  	[tilespmem:s7], [sflag:$0x4] =	stream.indirect.gather [hbm4b:s29+s11], $0x40, s1, s11, $0xb8;
	[tilespmem:$0x8800] =	vst v63  }
0x42: {  	_ =	swait.ge [sflag:s16], $0x2000  }
0x43: {  	[sflag:s16] =	ssyncset.done $0x0  }
0x44: {  	s1 =	rddreg [dreg:$0xc];
	[sflag:s16] =	ssyncadd.s32 $0xFFFFE000  }
0x45: {  	[hbm4b:s1+s4] =	stream.strided.scatter [tilespmem:s9], [sflag:$0x6], $0x2000, s3, s4, $0x38;
	[tilespmem:$0x8800] =	vst v63  }
0x46: {  	_ =	swait.ge [sflag:s5], $0x2000  }
0x47: {  	[sflag:s5] =	ssyncset.done $0x0  }
0x48: {  	[sflag:s5] =	ssyncadd.s32 $0xFFFFE000  }
0x49: {  	[tilespmem:s14], [sflag:$0x1] =	stream.indirect.gather [hbm4b:s23+s11], $0x40, s30, s11, $0xb8;
	[tilespmem:$0x8800] =	vst v63  }
0x4a: {  	_ =	swait.ge [sflag:s13], $0x2000  }
0x4b: {  	[sflag:s13] =	ssyncset.done $0x0  }
0x4c: {  	s1 =	rddreg [dreg:$0xd];
	[sflag:s13] =	ssyncadd.s32 $0xFFFFE000  }
0x4d: {  	[hbm4b:s1+s4] =	stream.strided.scatter [tilespmem:s6], [sflag:$0x7], $0x2000, s3, s4, $0x38;
	[tilespmem:$0x8800] =	vst v63  }
0x4e: {  	_ =	swait.ge [sflag:s8], $0x2000  }
0x4f: {  	[sflag:s8] =	ssyncset.done $0x0  }
0x50: {  	s1 =	rddreg [dreg:$0x1c];
	[sflag:s8] =	ssyncadd.s32 $0xFFFFE000  }
0x51: {  	[tilespmem:s9], [sflag:$0x2] =	stream.indirect.gather [hbm4b:s23+s11], $0x40, s1, s11, $0xb8;
	[tilespmem:$0x8800] =	vst v63  }
0x52: {  	_ =	swait.ge [sflag:s15], $0x2000  }
0x53: {  	[sflag:s15] =	ssyncset.done $0x0  }
0x54: {  	s1 =	rddreg [dreg:$0xe];
	[sflag:s15] =	ssyncadd.s32 $0xFFFFE000  }
0x55: {  	[hbm4b:s1+s4] =	stream.strided.scatter [tilespmem:s7], [sflag:$0x8], $0x2000, s3, s4, $0x38;
	[tilespmem:$0x8800] =	vst v63  }
0x56: {  	_ =	swait.ge [sflag:s10], $0x2000  }
0x57: {  	[sflag:s10] =	ssyncset.done $0x0  }
0x58: {  	s1 =	rddreg [dreg:$0x1d];
	[sflag:s10] =	ssyncadd.s32 $0xFFFFE000  }
0x59: {  	[tilespmem:s6], [sflag:$0x3] =	stream.indirect.gather [hbm4b:s23+s11], $0x40, s1, s11, $0xb8;
	[tilespmem:$0x8800] =	vst v63  }
0x5a: {  	_ =	swait.ge [sflag:s17], $0x2000  }
0x5b: {  	[sflag:s17] =	ssyncset.done $0x0  }
0x5c: {  	s1 =	rddreg [dreg:$0xf];
	[sflag:s17] =	ssyncadd.s32 $0xFFFFE000  }
0x5d: {  	[hbm4b:s1+s4] =	stream.strided.scatter [tilespmem:s14], [sflag:$0x5], $0x2000, s3, s4, $0x38;
	[tilespmem:$0x8800] =	vst v63  }
0x5e: {  	_ =	swait.ge [sflag:s12], $0x2000  }
0x5f: {  	[sflag:s12] =	ssyncset.done $0x0  }
0x60: {  	s1 =	rddreg [dreg:$0x1e];
	[sflag:s12] =	ssyncadd.s32 $0xFFFFE000  }
0x61: {  	[tilespmem:s7], [sflag:$0x4] =	stream.indirect.gather [hbm4b:s23+s11], $0x40, s1, s11, $0xb8;
	[tilespmem:$0x8800] =	vst v63  }
0x62: {  	_ =	swait.ge [sflag:s16], $0x2000  }
0x63: {  	[sflag:s16] =	ssyncset.done $0x0  }
0x64: {  	s1 =	rddreg [dreg:$0x10];
	[sflag:s16] =	ssyncadd.s32 $0xFFFFE000  }
0x65: {  	[hbm4b:s1+s4] =	stream.strided.scatter [tilespmem:s9], [sflag:$0x6], $0x2000, s3, s4, $0x38;
	[tilespmem:$0x8800] =	vst v63  }
0x66: {  	_ =	swait.ge [sflag:s5], $0x2000  }
0x67: {  	[sflag:s5] =	ssyncset.done $0x0  }
0x68: {  	[sflag:s5] =	ssyncadd.s32 $0xFFFFE000  }
0x69: {  	[tilespmem:s14], [sflag:$0x1] =	stream.indirect.gather [hbm4b:s19+s11], $0x40, s24, s11, $0xb8;
	[tilespmem:$0x8800] =	vst v63  }
0x6a: {  	_ =	swait.ge [sflag:s13], $0x2000  }
0x6b: {  	[sflag:s13] =	ssyncset.done $0x0  }
0x6c: {  	s1 =	rddreg [dreg:$0x11];
	[sflag:s13] =	ssyncadd.s32 $0xFFFFE000  }
0x6d: {  	[hbm4b:s1+s4] =	stream.strided.scatter [tilespmem:s6], [sflag:$0x7], $0x2000, s3, s4, $0x38;
	[tilespmem:$0x8800] =	vst v63  }
0x6e: {  	_ =	swait.ge [sflag:s8], $0x2000  }
0x6f: {  	[sflag:s8] =	ssyncset.done $0x0  }
0x70: {  	s1 =	rddreg [dreg:$0x1f];
	[sflag:s8] =	ssyncadd.s32 $0xFFFFE000  }
0x71: {  	[tilespmem:s9], [sflag:$0x2] =	stream.indirect.gather [hbm4b:s19+s11], $0x40, s1, s11, $0xb8;
	[tilespmem:$0x8800] =	vst v63  }
0x72: {  	_ =	swait.ge [sflag:s15], $0x2000  }
0x73: {  	[sflag:s15] =	ssyncset.done $0x0  }
0x74: {  	s1 =	rddreg [dreg:$0x12];
	[sflag:s15] =	ssyncadd.s32 $0xFFFFE000  }
0x75: {  	[hbm4b:s1+s4] =	stream.strided.scatter [tilespmem:s7], [sflag:$0x8], $0x2000, s3, s4, $0x38;
	[tilespmem:$0x8800] =	vst v63  }
0x76: {  	_ =	swait.ge [sflag:s10], $0x2000  }
0x77: {  	[sflag:s10] =	ssyncset.done $0x0  }
0x78: {  	s1 =	simm.s32 $0x500;
	[sflag:s10] =	ssyncadd.s32 $0xFFFFE000  }
0x79: {  	[tilespmem:s6], [sflag:$0x3] =	stream.indirect.gather [hbm4b:s19+s11], $0x40, s1, s11, $0xb8;
	[tilespmem:$0x8800] =	vst v63  }
0x7a: {  	_ =	swait.ge [sflag:s17], $0x2000  }
0x7b: {  	[sflag:s17] =	ssyncset.done $0x0  }
0x7c: {  	s1 =	rddreg [dreg:$0x13];
	[sflag:s17] =	ssyncadd.s32 $0xFFFFE000  }
0x7d: {  	[hbm4b:s1+s4] =	stream.strided.scatter [tilespmem:s14], [sflag:$0x5], $0x2000, s3, s4, $0x38;
	[tilespmem:$0x8800] =	vst v63  }
0x7e: {  	_ =	swait.ge [sflag:s12], $0x2000  }
0x7f: {  	[sflag:s12] =	ssyncset.done $0x0  }
0x80: {  	[sflag:s12] =	ssyncadd.s32 $0xFFFFE000  }
0x81: {  	[tilespmem:s7], [sflag:$0x4] =	stream.indirect.gather [hbm4b:s19+s11], $0x40, s28, s11, $0xb8;
	[tilespmem:$0x8800] =	vst v63  }
0x82: {  	_ =	swait.ge [sflag:s16], $0x2000  }
0x83: {  	[sflag:s16] =	ssyncset.done $0x0  }
0x84: {  	s1 =	rddreg [dreg:$0x14];
	[sflag:s16] =	ssyncadd.s32 $0xFFFFE000  }
0x85: {  	[hbm4b:s1+s4] =	stream.strided.scatter [tilespmem:s9], [sflag:$0x6], $0x2000, s3, s4, $0x38;
	[tilespmem:$0x8800] =	vst v63  }
0x86: {  	_ =	swait.ge [sflag:s5], $0x2000  }
0x87: {  	[sflag:s5] =	ssyncset.done $0x0  }
0x88: {  	[sflag:s5] =	ssyncadd.s32 $0xFFFFE000  }
0x89: {  	[tilespmem:s14], [sflag:$0x1] =	stream.indirect.gather [hbm4b:s2+s11], $0x40, s18, s11, $0xb8;
	[tilespmem:$0x8800] =	vst v63  }
0x8a: {  	_ =	swait.ge [sflag:s13], $0x2000  }
0x8b: {  	[sflag:s13] =	ssyncset.done $0x0  }
0x8c: {  	s1 =	rddreg [dreg:$0x15];
	[sflag:s13] =	ssyncadd.s32 $0xFFFFE000  }
0x8d: {  	[hbm4b:s1+s4] =	stream.strided.scatter [tilespmem:s6], [sflag:$0x7], $0x2000, s3, s4, $0x38;
	[tilespmem:$0x8800] =	vst v63  }
0x8e: {  	_ =	swait.ge [sflag:s8], $0x2000  }
0x8f: {  	[sflag:s8] =	ssyncset.done $0x0  }
0x90: {  	[sflag:s8] =	ssyncadd.s32 $0xFFFFE000  }
0x91: {  	[tilespmem:s9], [sflag:$0x2] =	stream.indirect.gather [hbm4b:s2+s11], $0x40, s26, s11, $0xb8;
	[tilespmem:$0x8800] =	vst v63  }
0x92: {  	_ =	swait.ge [sflag:s15], $0x2000  }
0x93: {  	[sflag:s15] =	ssyncset.done $0x0  }
0x94: {  	s1 =	rddreg [dreg:$0x16];
	[sflag:s15] =	ssyncadd.s32 $0xFFFFE000  }
0x95: {  	[hbm4b:s1+s4] =	stream.strided.scatter [tilespmem:s7], [sflag:$0x8], $0x2000, s3, s4, $0x38;
	[tilespmem:$0x8800] =	vst v63  }
0x96: {  	_ =	swait.ge [sflag:s10], $0x2000  }
0x97: {  	[sflag:s10] =	ssyncset.done $0x0  }
0x98: {  	[sflag:s10] =	ssyncadd.s32 $0xFFFFE000  }
0x99: {  	[tilespmem:s6], [sflag:$0x3] =	stream.indirect.gather [hbm4b:s2+s11], $0x40, s22, s11, $0xb8;
	[tilespmem:$0x8800] =	vst v63  }
0x9a: {  	_ =	swait.ge [sflag:s17], $0x2000  }
0x9b: {  	[sflag:s17] =	ssyncset.done $0x0  }
0x9c: {  	s1 =	rddreg [dreg:$0x17];
	[sflag:s17] =	ssyncadd.s32 $0xFFFFE000  }
0x9d: {  	[hbm4b:s1+s4] =	stream.strided.scatter [tilespmem:s14], [sflag:$0x5], $0x2000, s3, s4, $0x38;
	[tilespmem:$0x8800] =	vst v63  }
0x9e: {  	_ =	swait.ge [sflag:s12], $0x2000  }
0x9f: {  	[sflag:s12] =	ssyncset.done $0x0  }
0xa0: {  	[sflag:s12] =	ssyncadd.s32 $0xFFFFE000  }
0xa1: {  	[tilespmem:s7], [sflag:$0x4] =	stream.indirect.gather [hbm4b:s2+s11], $0x40, s21, s11, $0xb8;
	[tilespmem:$0x8800] =	vst v63  }
0xa2: {  	_ =	swait.ge [sflag:s16], $0x2000  }
0xa3: {  	[sflag:s16] =	ssyncset.done $0x0  }
0xa4: {  	s1 =	rddreg [dreg:$0x18];
	[sflag:s16] =	ssyncadd.s32 $0xFFFFE000  }
0xa5: {  	[hbm4b:s1+s4] =	stream.strided.scatter [tilespmem:s9], [sflag:$0x6], $0x2000, s3, s4, $0x38;
	[tilespmem:$0x8800] =	vst v63  }
0xa6: {  	_ =	swait.ge [sflag:s13], $0x2000  }
0xa7: {  	[sflag:s13] =	ssyncset.done $0x0  }
0xa8: {  	s1 =	rddreg [dreg:$0x19];
	[sflag:s13] =	ssyncadd.s32 $0xFFFFE000  }
0xa9: {  	[hbm4b:s1+s4] =	stream.strided.scatter [tilespmem:s6], [sflag:$0x7], $0x2000, s3, s4, $0x38;
	[tilespmem:$0x8800] =	vst v63  }
0xaa: {  	_ =	swait.ge [sflag:s15], $0x2000  }
0xab: {  	[sflag:s15] =	ssyncset.done $0x0  }
0xac: {  	s1 =	rddreg [dreg:$0x1a];
	[sflag:s15] =	ssyncadd.s32 $0xFFFFE000  }
0xad: {  	[hbm4b:s1+s4] =	stream.strided.scatter [tilespmem:s7], [sflag:$0x8], $0x2000, s3, s4, $0x38;
	[tilespmem:$0x8800] =	vst v63  }
0xae: {  	_ =	swait.ge [sflag:s5], $0x2000  }
0xaf: {  	[sflag:s5] =	ssyncset.done $0x0  }
0xb0: {  	[sflag:s5] =	ssyncadd.s32 $0xFFFFE000  }
0xb1: {  	_ =	swait.ge [sflag:s8], $0x2000  }
0xb2: {  	[sflag:s8] =	ssyncset.done $0x0  }
0xb3: {  	p1 =	sne.s32 s20, $0x1;
	[sflag:s8] =	ssyncadd.s32 $0xFFFFE000  }
.Ltmp1:
0xb4: {  	_ =	swait.ge [sflag:s10], $0x2000;
	(pc) =	sbr.rel @!p1 .LBB2_3-.Ltmp1, $4  }
0xb5: {  	[sflag:s10] =	ssyncset.done $0x0  }
0xb6: {  	[sflag:s10] =	ssyncadd.s32 $0xFFFFE000  }
0xb7: {  	p0 =	por $0x1, $0x1;
	_ =	swait.ge [sflag:s12], $0x2000  }
0xb8: {  	s1 =	sadd.s32 $0xFFFFFFFF, s20;
	s0 =	rddreg [dreg:$0x7];
	[sflag:s12] =	ssyncset.done $0x0  }
.LBB2_4:
0xb9: {  	[sflag:s12] =	ssyncadd.s32 $0xFFFFE000  }
0xba: {  	[tilespmem:s25], [sflag:$0x9] =	stream.linear.gather [hbm4b:s0+s25], $0x200, $0x38;
	[tilespmem:$0x8800] =	vst v63  }
0xbb: {  	_ =	swait.ge [sflag:s31], $0x200  }
0xbc: {  	[sflag:s31] =	ssyncset.done $0x0  }
0xbd: {  	s20 =	rddreg [dreg:$0x8];
	[sflag:s31] =	ssyncadd.s32 $0xFFFFFE00  }
0xbe: {  	[tilespmem:s30], [sflag:$0x9] =	stream.linear.gather [hbm4b:s20+s25], $0x200, $0x38;
	[tilespmem:$0x8800] =	vst v63  }
0xbf: {  	_ =	swait.ge [sflag:s31], $0x200  }
0xc0: {  	[sflag:s31] =	ssyncset.done $0x0  }
0xc1: {  	s20 =	rddreg [dreg:$0x9];
	[sflag:s31] =	ssyncadd.s32 $0xFFFFFE00  }
0xc2: {  	[tilespmem:s24], [sflag:$0x9] =	stream.linear.gather [hbm4b:s20+s25], $0x200, $0x38;
	[tilespmem:$0x8800] =	vst v63  }
0xc3: {  	_ =	swait.ge [sflag:s31], $0x200  }
0xc4: {  	[sflag:s31] =	ssyncset.done $0x0  }
0xc5: {  	s20 =	rddreg [dreg:$0xa];
	[sflag:s31] =	ssyncadd.s32 $0xFFFFFE00  }
0xc6: {  	[tilespmem:s18], [sflag:$0x9] =	stream.linear.gather [hbm4b:s20+s25], $0x200, $0x38;
	[tilespmem:$0x8800] =	vst v63  }
0xc7: {  	_ =	swait.ge [sflag:s31], $0x200  }
0xc8: {  	[sflag:s31] =	ssyncset.done $0x0  }
0xc9: {  	[sflag:s31] =	ssyncadd.s32 $0xFFFFFE00  }
0xca: {  	[tilespmem:s14], [sflag:$0x1] =	stream.indirect.gather [hbm4b:s29+s11], $0x40, s25, s11, $0xb8;
	[tilespmem:$0x8800] =	vst v63  }
0xcb: {  	_ = 	snop  }
0xcc: {  	[tilespmem:s9], [sflag:$0x2] =	stream.indirect.gather [hbm4b:s29+s11], $0x40, s11, s11, $0xb8;
	[tilespmem:$0x8800] =	vst v63  }
0xcd: {  	_ = 	snop  }
0xce: {  	[tilespmem:s6], [sflag:$0x3] =	stream.indirect.gather [hbm4b:s29+s11], $0x40, s3, s11, $0xb8;
	[tilespmem:$0x8800] =	vst v63  }
0xcf: {  	_ =	swait.ge [sflag:s17], $0x2000  }
0xd0: {  	[sflag:s17] =	ssyncset.done $0x0  }
0xd1: {  	s0 =	rddreg [dreg:$0xb];
	[sflag:s17] =	ssyncadd.s32 $0xFFFFE000  }
0xd2: {  	[hbm4b:s0+s4] =	stream.strided.scatter [tilespmem:s14], [sflag:$0x5], $0x2000, s3, s4, $0x38;
	[tilespmem:$0x8800] =	vst v63  }
0xd3: {  	s20 =	rddreg [dreg:$0x1b]  }
0xd4: {  	[tilespmem:s7], [sflag:$0x4] =	stream.indirect.gather [hbm4b:s29+s11], $0x40, s20, s11, $0xb8;
	[tilespmem:$0x8800] =	vst v63  }
0xd5: {  	_ =	swait.ge [sflag:s16], $0x2000  }
0xd6: {  	[sflag:s16] =	ssyncset.done $0x0  }
0xd7: {  	s20 =	rddreg [dreg:$0xc];
	[sflag:s16] =	ssyncadd.s32 $0xFFFFE000  }
0xd8: {  	[hbm4b:s20+s4] =	stream.strided.scatter [tilespmem:s9], [sflag:$0x6], $0x2000, s3, s4, $0x38;
	[tilespmem:$0x8800] =	vst v63  }
0xd9: {  	_ =	swait.ge [sflag:s5], $0x2000  }
0xda: {  	[sflag:s5] =	ssyncset.done $0x0  }
0xdb: {  	[sflag:s5] =	ssyncadd.s32 $0xFFFFE000  }
0xdc: {  	[tilespmem:s14], [sflag:$0x1] =	stream.indirect.gather [hbm4b:s23+s11], $0x40, s30, s11, $0xb8;
	[tilespmem:$0x8800] =	vst v63  }
0xdd: {  	_ =	swait.ge [sflag:s13], $0x2000  }
0xde: {  	[sflag:s13] =	ssyncset.done $0x0  }
0xdf: {  	s20 =	rddreg [dreg:$0xd];
	[sflag:s13] =	ssyncadd.s32 $0xFFFFE000  }
0xe0: {  	[hbm4b:s20+s4] =	stream.strided.scatter [tilespmem:s6], [sflag:$0x7], $0x2000, s3, s4, $0x38;
	[tilespmem:$0x8800] =	vst v63  }
0xe1: {  	_ =	swait.ge [sflag:s8], $0x2000  }
0xe2: {  	[sflag:s8] =	ssyncset.done $0x0  }
0xe3: {  	s20 =	rddreg [dreg:$0x1c];
	[sflag:s8] =	ssyncadd.s32 $0xFFFFE000  }
0xe4: {  	[tilespmem:s9], [sflag:$0x2] =	stream.indirect.gather [hbm4b:s23+s11], $0x40, s20, s11, $0xb8;
	[tilespmem:$0x8800] =	vst v63  }
0xe5: {  	_ =	swait.ge [sflag:s15], $0x2000  }
0xe6: {  	[sflag:s15] =	ssyncset.done $0x0  }
0xe7: {  	s20 =	rddreg [dreg:$0xe];
	[sflag:s15] =	ssyncadd.s32 $0xFFFFE000  }
0xe8: {  	[hbm4b:s20+s4] =	stream.strided.scatter [tilespmem:s7], [sflag:$0x8], $0x2000, s3, s4, $0x38;
	[tilespmem:$0x8800] =	vst v63  }
0xe9: {  	_ =	swait.ge [sflag:s10], $0x2000  }
0xea: {  	[sflag:s10] =	ssyncset.done $0x0  }
0xeb: {  	s20 =	rddreg [dreg:$0x1d];
	[sflag:s10] =	ssyncadd.s32 $0xFFFFE000  }
0xec: {  	[tilespmem:s6], [sflag:$0x3] =	stream.indirect.gather [hbm4b:s23+s11], $0x40, s20, s11, $0xb8;
	[tilespmem:$0x8800] =	vst v63  }
0xed: {  	_ =	swait.ge [sflag:s17], $0x2000  }
0xee: {  	[sflag:s17] =	ssyncset.done $0x0  }
0xef: {  	s20 =	rddreg [dreg:$0xf];
	[sflag:s17] =	ssyncadd.s32 $0xFFFFE000  }
0xf0: {  	[hbm4b:s20+s4] =	stream.strided.scatter [tilespmem:s14], [sflag:$0x5], $0x2000, s3, s4, $0x38;
	[tilespmem:$0x8800] =	vst v63  }
0xf1: {  	_ =	swait.ge [sflag:s12], $0x2000  }
0xf2: {  	[sflag:s12] =	ssyncset.done $0x0  }
0xf3: {  	s20 =	rddreg [dreg:$0x1e];
	[sflag:s12] =	ssyncadd.s32 $0xFFFFE000  }
0xf4: {  	[tilespmem:s7], [sflag:$0x4] =	stream.indirect.gather [hbm4b:s23+s11], $0x40, s20, s11, $0xb8;
	[tilespmem:$0x8800] =	vst v63  }
0xf5: {  	_ =	swait.ge [sflag:s16], $0x2000  }
0xf6: {  	[sflag:s16] =	ssyncset.done $0x0  }
0xf7: {  	s20 =	rddreg [dreg:$0x10];
	[sflag:s16] =	ssyncadd.s32 $0xFFFFE000  }
0xf8: {  	[hbm4b:s20+s4] =	stream.strided.scatter [tilespmem:s9], [sflag:$0x6], $0x2000, s3, s4, $0x38;
	[tilespmem:$0x8800] =	vst v63  }
0xf9: {  	_ =	swait.ge [sflag:s5], $0x2000  }
0xfa: {  	[sflag:s5] =	ssyncset.done $0x0  }
0xfb: {  	[sflag:s5] =	ssyncadd.s32 $0xFFFFE000  }
0xfc: {  	[tilespmem:s14], [sflag:$0x1] =	stream.indirect.gather [hbm4b:s19+s11], $0x40, s24, s11, $0xb8;
	[tilespmem:$0x8800] =	vst v63  }
0xfd: {  	_ =	swait.ge [sflag:s13], $0x2000  }
0xfe: {  	[sflag:s13] =	ssyncset.done $0x0  }
0xff: {  	s20 =	rddreg [dreg:$0x11];
	[sflag:s13] =	ssyncadd.s32 $0xFFFFE000  }
0x100: {  	[hbm4b:s20+s4] =	stream.strided.scatter [tilespmem:s6], [sflag:$0x7], $0x2000, s3, s4, $0x38;
	[tilespmem:$0x8800] =	vst v63  }
0x101: {  	_ =	swait.ge [sflag:s8], $0x2000  }
0x102: {  	[sflag:s8] =	ssyncset.done $0x0  }
0x103: {  	s20 =	rddreg [dreg:$0x1f];
	[sflag:s8] =	ssyncadd.s32 $0xFFFFE000  }
0x104: {  	[tilespmem:s9], [sflag:$0x2] =	stream.indirect.gather [hbm4b:s19+s11], $0x40, s20, s11, $0xb8;
	[tilespmem:$0x8800] =	vst v63  }
0x105: {  	_ =	swait.ge [sflag:s15], $0x2000  }
0x106: {  	[sflag:s15] =	ssyncset.done $0x0  }
0x107: {  	s20 =	rddreg [dreg:$0x12];
	[sflag:s15] =	ssyncadd.s32 $0xFFFFE000  }
0x108: {  	[hbm4b:s20+s4] =	stream.strided.scatter [tilespmem:s7], [sflag:$0x8], $0x2000, s3, s4, $0x38;
	[tilespmem:$0x8800] =	vst v63  }
0x109: {  	_ =	swait.ge [sflag:s10], $0x2000  }
0x10a: {  	[sflag:s10] =	ssyncset.done $0x0  }
0x10b: {  	s20 =	simm.s32 $0x500;
	[sflag:s10] =	ssyncadd.s32 $0xFFFFE000  }
0x10c: {  	[tilespmem:s6], [sflag:$0x3] =	stream.indirect.gather [hbm4b:s19+s11], $0x40, s20, s11, $0xb8;
	[tilespmem:$0x8800] =	vst v63  }
0x10d: {  	_ =	swait.ge [sflag:s17], $0x2000  }
0x10e: {  	[sflag:s17] =	ssyncset.done $0x0  }
0x10f: {  	s20 =	rddreg [dreg:$0x13];
	[sflag:s17] =	ssyncadd.s32 $0xFFFFE000  }
0x110: {  	[hbm4b:s20+s4] =	stream.strided.scatter [tilespmem:s14], [sflag:$0x5], $0x2000, s3, s4, $0x38;
	[tilespmem:$0x8800] =	vst v63  }
0x111: {  	_ =	swait.ge [sflag:s12], $0x2000  }
0x112: {  	[sflag:s12] =	ssyncset.done $0x0  }
0x113: {  	[sflag:s12] =	ssyncadd.s32 $0xFFFFE000  }
0x114: {  	[tilespmem:s7], [sflag:$0x4] =	stream.indirect.gather [hbm4b:s19+s11], $0x40, s28, s11, $0xb8;
	[tilespmem:$0x8800] =	vst v63  }
0x115: {  	_ =	swait.ge [sflag:s16], $0x2000  }
0x116: {  	[sflag:s16] =	ssyncset.done $0x0  }
0x117: {  	s20 =	rddreg [dreg:$0x14];
	[sflag:s16] =	ssyncadd.s32 $0xFFFFE000  }
0x118: {  	[hbm4b:s20+s4] =	stream.strided.scatter [tilespmem:s9], [sflag:$0x6], $0x2000, s3, s4, $0x38;
	[tilespmem:$0x8800] =	vst v63  }
0x119: {  	_ =	swait.ge [sflag:s5], $0x2000  }
0x11a: {  	[sflag:s5] =	ssyncset.done $0x0  }
0x11b: {  	[sflag:s5] =	ssyncadd.s32 $0xFFFFE000  }
0x11c: {  	[tilespmem:s14], [sflag:$0x1] =	stream.indirect.gather [hbm4b:s2+s11], $0x40, s18, s11, $0xb8;
	[tilespmem:$0x8800] =	vst v63  }
0x11d: {  	_ =	swait.ge [sflag:s13], $0x2000  }
0x11e: {  	[sflag:s13] =	ssyncset.done $0x0  }
0x11f: {  	s20 =	rddreg [dreg:$0x15];
	[sflag:s13] =	ssyncadd.s32 $0xFFFFE000  }
0x120: {  	[hbm4b:s20+s4] =	stream.strided.scatter [tilespmem:s6], [sflag:$0x7], $0x2000, s3, s4, $0x38;
	[tilespmem:$0x8800] =	vst v63  }
0x121: {  	_ =	swait.ge [sflag:s8], $0x2000  }
0x122: {  	[sflag:s8] =	ssyncset.done $0x0  }
0x123: {  	[sflag:s8] =	ssyncadd.s32 $0xFFFFE000  }
0x124: {  	[tilespmem:s9], [sflag:$0x2] =	stream.indirect.gather [hbm4b:s2+s11], $0x40, s26, s11, $0xb8;
	[tilespmem:$0x8800] =	vst v63  }
0x125: {  	_ =	swait.ge [sflag:s15], $0x2000  }
0x126: {  	[sflag:s15] =	ssyncset.done $0x0  }
0x127: {  	s20 =	rddreg [dreg:$0x16];
	[sflag:s15] =	ssyncadd.s32 $0xFFFFE000  }
0x128: {  	[hbm4b:s20+s4] =	stream.strided.scatter [tilespmem:s7], [sflag:$0x8], $0x2000, s3, s4, $0x38;
	[tilespmem:$0x8800] =	vst v63  }
0x129: {  	_ =	swait.ge [sflag:s10], $0x2000  }
0x12a: {  	[sflag:s10] =	ssyncset.done $0x0  }
0x12b: {  	[sflag:s10] =	ssyncadd.s32 $0xFFFFE000  }
0x12c: {  	[tilespmem:s6], [sflag:$0x3] =	stream.indirect.gather [hbm4b:s2+s11], $0x40, s22, s11, $0xb8;
	[tilespmem:$0x8800] =	vst v63  }
0x12d: {  	_ =	swait.ge [sflag:s17], $0x2000  }
0x12e: {  	[sflag:s17] =	ssyncset.done $0x0  }
0x12f: {  	s20 =	rddreg [dreg:$0x17];
	[sflag:s17] =	ssyncadd.s32 $0xFFFFE000  }
0x130: {  	[hbm4b:s20+s4] =	stream.strided.scatter [tilespmem:s14], [sflag:$0x5], $0x2000, s3, s4, $0x38;
	[tilespmem:$0x8800] =	vst v63  }
0x131: {  	_ =	swait.ge [sflag:s12], $0x2000  }
0x132: {  	[sflag:s12] =	ssyncset.done $0x0  }
0x133: {  	[sflag:s12] =	ssyncadd.s32 $0xFFFFE000  }
0x134: {  	[tilespmem:s7], [sflag:$0x4] =	stream.indirect.gather [hbm4b:s2+s11], $0x40, s21, s11, $0xb8;
	[tilespmem:$0x8800] =	vst v63  }
0x135: {  	_ =	swait.ge [sflag:s16], $0x2000  }
0x136: {  	[sflag:s16] =	ssyncset.done $0x0  }
0x137: {  	s20 =	rddreg [dreg:$0x18];
	[sflag:s16] =	ssyncadd.s32 $0xFFFFE000  }
0x138: {  	[hbm4b:s20+s4] =	stream.strided.scatter [tilespmem:s9], [sflag:$0x6], $0x2000, s3, s4, $0x38;
	[tilespmem:$0x8800] =	vst v63  }
0x139: {  	_ =	swait.ge [sflag:s13], $0x2000  }
0x13a: {  	[sflag:s13] =	ssyncset.done $0x0  }
0x13b: {  	s20 =	rddreg [dreg:$0x19];
	[sflag:s13] =	ssyncadd.s32 $0xFFFFE000  }
0x13c: {  	[hbm4b:s20+s4] =	stream.strided.scatter [tilespmem:s6], [sflag:$0x7], $0x2000, s3, s4, $0x38;
	[tilespmem:$0x8800] =	vst v63  }
0x13d: {  	_ =	swait.ge [sflag:s15], $0x2000  }
0x13e: {  	[sflag:s15] =	ssyncset.done $0x0  }
0x13f: {  	s20 =	rddreg [dreg:$0x1a];
	[sflag:s15] =	ssyncadd.s32 $0xFFFFE000  }
0x140: {  	[hbm4b:s20+s4] =	stream.strided.scatter [tilespmem:s7], [sflag:$0x8], $0x2000, s3, s4, $0x38;
	[tilespmem:$0x8800] =	vst v63  }
0x141: {  	_ =	swait.ge [sflag:s5], $0x2000  }
0x142: {  	[sflag:s5] =	ssyncset.done $0x0  }
0x143: {  	[sflag:s5] =	ssyncadd.s32 $0xFFFFE000  }
0x144: {  	_ =	swait.ge [sflag:s8], $0x2000  }
0x145: {  	[sflag:s8] =	ssyncset.done $0x0  }
0x146: {  	p1 =	sne.s32 s1, $0x1;
	[sflag:s8] =	ssyncadd.s32 $0xFFFFE000  }
.Ltmp2:
0x147: {  	_ =	swait.ge [sflag:s10], $0x2000;
	(pc) =	sbr.rel @p1 .LBB2_4-.Ltmp2, $4  }
0x148: {  	[sflag:s10] =	ssyncset.done $0x0  }
0x149: {  	[sflag:s10] =	ssyncadd.s32 $0xFFFFE000  }
0x14a: {  	_ =	swait.ge [sflag:s12], $0x2000  }
0x14b: {  	s1 =	sadd.s32 $0xFFFFFFFF, s1;
	s0 =	rddreg [dreg:$0x7];
	[sflag:s12] =	ssyncset.done $0x0  }
0x14c: {  	s21 =	simm.s32 $0x500;
	s28 =	simm.s32 $0x580  }
0x14d: {  	s26 =	simm.s32 $0x680;
	s22 =	simm.s32 $0x700;
	s20 =	stileid.u32  }
.LBB2_6:
0x14e: {  	[sflag:s12] =	ssyncadd.s32 @p0 $0xFFFFE000  }
0x14f: {  	[tilespmem:s25], [sflag:$0x9] =	stream.linear.gather [hbm4b:s0+s25], $0x200, $0x38;
	[tilespmem:$0x8800] =	vst v63  }
0x150: {  	_ =	swait.ge [sflag:s31], $0x200  }
0x151: {  	[sflag:s31] =	ssyncset.done $0x0  }
0x152: {  	s1 =	rddreg [dreg:$0x8];
	[sflag:s31] =	ssyncadd.s32 $0xFFFFFE00  }
0x153: {  	[tilespmem:s30], [sflag:$0x9] =	stream.linear.gather [hbm4b:s1+s25], $0x200, $0x38;
	[tilespmem:$0x8800] =	vst v63  }
0x154: {  	_ =	swait.ge [sflag:s31], $0x200  }
0x155: {  	[sflag:s31] =	ssyncset.done $0x0  }
0x156: {  	s1 =	rddreg [dreg:$0x9];
	[sflag:s31] =	ssyncadd.s32 $0xFFFFFE00  }
0x157: {  	[tilespmem:s24], [sflag:$0x9] =	stream.linear.gather [hbm4b:s1+s25], $0x200, $0x38;
	[tilespmem:$0x8800] =	vst v63  }
0x158: {  	_ =	swait.ge [sflag:s31], $0x200  }
0x159: {  	[sflag:s31] =	ssyncset.done $0x0  }
0x15a: {  	s1 =	rddreg [dreg:$0xa];
	[sflag:s31] =	ssyncadd.s32 $0xFFFFFE00  }
0x15b: {  	[tilespmem:s18], [sflag:$0x9] =	stream.linear.gather [hbm4b:s1+s25], $0x200, $0x38;
	[tilespmem:$0x8800] =	vst v63  }
0x15c: {  	_ =	swait.ge [sflag:s31], $0x200  }
0x15d: {  	[sflag:s31] =	ssyncset.done $0x0  }
0x15e: {  	[sflag:s31] =	ssyncadd.s32 $0xFFFFFE00  }
0x15f: {  	[tilespmem:s14], [sflag:$0x1] =	stream.indirect.gather [hbm4b:s29+s11], $0x40, s25, s11, $0xb8;
	[tilespmem:$0x8800] =	vst v63  }
0x160: {  	_ = 	snop  }
0x161: {  	[tilespmem:s9], [sflag:$0x2] =	stream.indirect.gather [hbm4b:s29+s11], $0x40, s11, s11, $0xb8;
	[tilespmem:$0x8800] =	vst v63  }
0x162: {  	_ = 	snop  }
0x163: {  	[tilespmem:s6], [sflag:$0x3] =	stream.indirect.gather [hbm4b:s29+s11], $0x40, s3, s11, $0xb8;
	[tilespmem:$0x8800] =	vst v63  }
0x164: {  	_ =	swait.ge [sflag:s17], $0x2000  }
0x165: {  	[sflag:s17] =	ssyncset.done $0x0  }
0x166: {  	s31 =	rddreg [dreg:$0xb];
	[sflag:s17] =	ssyncadd.s32 $0xFFFFE000  }
0x167: {  	[hbm4b:s31+s4] =	stream.strided.scatter [tilespmem:s14], [sflag:$0x5], $0x2000, s3, s4, $0x38;
	[tilespmem:$0x8800] =	vst v63  }
0x168: {  	s1 =	rddreg [dreg:$0x1b]  }
0x169: {  	[tilespmem:s7], [sflag:$0x4] =	stream.indirect.gather [hbm4b:s29+s11], $0x40, s1, s11, $0xb8;
	[tilespmem:$0x8800] =	vst v63  }
0x16a: {  	_ =	swait.ge [sflag:s16], $0x2000  }
0x16b: {  	[sflag:s16] =	ssyncset.done $0x0  }
0x16c: {  	s1 =	rddreg [dreg:$0xc];
	[sflag:s16] =	ssyncadd.s32 $0xFFFFE000  }
0x16d: {  	[hbm4b:s1+s4] =	stream.strided.scatter [tilespmem:s9], [sflag:$0x6], $0x2000, s3, s4, $0x38;
	[tilespmem:$0x8800] =	vst v63  }
0x16e: {  	_ =	swait.ge [sflag:s5], $0x2000  }
0x16f: {  	[sflag:s5] =	ssyncset.done $0x0  }
0x170: {  	[sflag:s5] =	ssyncadd.s32 $0xFFFFE000  }
0x171: {  	[tilespmem:s14], [sflag:$0x1] =	stream.indirect.gather [hbm4b:s23+s11], $0x40, s30, s11, $0xb8;
	[tilespmem:$0x8800] =	vst v63  }
0x172: {  	_ =	swait.ge [sflag:s13], $0x2000  }
0x173: {  	[sflag:s13] =	ssyncset.done $0x0  }
0x174: {  	s25 =	rddreg [dreg:$0xd];
	[sflag:s13] =	ssyncadd.s32 $0xFFFFE000  }
0x175: {  	[hbm4b:s25+s4] =	stream.strided.scatter [tilespmem:s6], [sflag:$0x7], $0x2000, s3, s4, $0x38;
	[tilespmem:$0x8800] =	vst v63  }
0x176: {  	_ =	swait.ge [sflag:s8], $0x2000  }
0x177: {  	[sflag:s8] =	ssyncset.done $0x0  }
0x178: {  	s29 =	rddreg [dreg:$0x1c];
	[sflag:s8] =	ssyncadd.s32 $0xFFFFE000  }
0x179: {  	[tilespmem:s9], [sflag:$0x2] =	stream.indirect.gather [hbm4b:s23+s11], $0x40, s29, s11, $0xb8;
	[tilespmem:$0x8800] =	vst v63  }
0x17a: {  	_ =	swait.ge [sflag:s15], $0x2000  }
0x17b: {  	[sflag:s15] =	ssyncset.done $0x0  }
0x17c: {  	s30 =	rddreg [dreg:$0xe];
	[sflag:s15] =	ssyncadd.s32 $0xFFFFE000  }
0x17d: {  	[hbm4b:s30+s4] =	stream.strided.scatter [tilespmem:s7], [sflag:$0x8], $0x2000, s3, s4, $0x38;
	[tilespmem:$0x8800] =	vst v63  }
0x17e: {  	_ =	swait.ge [sflag:s10], $0x2000  }
0x17f: {  	[sflag:s10] =	ssyncset.done $0x0  }
0x180: {  	s31 =	rddreg [dreg:$0x1d];
	[sflag:s10] =	ssyncadd.s32 $0xFFFFE000  }
0x181: {  	[tilespmem:s6], [sflag:$0x3] =	stream.indirect.gather [hbm4b:s23+s11], $0x40, s31, s11, $0xb8;
	[tilespmem:$0x8800] =	vst v63  }
0x182: {  	_ =	swait.ge [sflag:s17], $0x2000  }
0x183: {  	[sflag:s17] =	ssyncset.done $0x0  }
0x184: {  	s1 =	rddreg [dreg:$0xf];
	[sflag:s17] =	ssyncadd.s32 $0xFFFFE000  }
0x185: {  	[hbm4b:s1+s4] =	stream.strided.scatter [tilespmem:s14], [sflag:$0x5], $0x2000, s3, s4, $0x38;
	[tilespmem:$0x8800] =	vst v63  }
0x186: {  	_ =	swait.ge [sflag:s12], $0x2000  }
0x187: {  	[sflag:s12] =	ssyncset.done $0x0  }
0x188: {  	s25 =	rddreg [dreg:$0x1e];
	[sflag:s12] =	ssyncadd.s32 $0xFFFFE000  }
0x189: {  	[tilespmem:s7], [sflag:$0x4] =	stream.indirect.gather [hbm4b:s23+s11], $0x40, s25, s11, $0xb8;
	[tilespmem:$0x8800] =	vst v63  }
0x18a: {  	_ =	swait.ge [sflag:s16], $0x2000  }
0x18b: {  	[sflag:s16] =	ssyncset.done $0x0  }
0x18c: {  	s29 =	rddreg [dreg:$0x10];
	[sflag:s16] =	ssyncadd.s32 $0xFFFFE000  }
0x18d: {  	[hbm4b:s29+s4] =	stream.strided.scatter [tilespmem:s9], [sflag:$0x6], $0x2000, s3, s4, $0x38;
	[tilespmem:$0x8800] =	vst v63  }
0x18e: {  	_ =	swait.ge [sflag:s5], $0x2000  }
0x18f: {  	[sflag:s5] =	ssyncset.done $0x0  }
0x190: {  	[sflag:s5] =	ssyncadd.s32 $0xFFFFE000  }
0x191: {  	[tilespmem:s14], [sflag:$0x1] =	stream.indirect.gather [hbm4b:s19+s11], $0x40, s24, s11, $0xb8;
	[tilespmem:$0x8800] =	vst v63  }
0x192: {  	_ =	swait.ge [sflag:s13], $0x2000  }
0x193: {  	[sflag:s13] =	ssyncset.done $0x0  }
0x194: {  	s30 =	rddreg [dreg:$0x11];
	[sflag:s13] =	ssyncadd.s32 $0xFFFFE000  }
0x195: {  	[hbm4b:s30+s4] =	stream.strided.scatter [tilespmem:s6], [sflag:$0x7], $0x2000, s3, s4, $0x38;
	[tilespmem:$0x8800] =	vst v63  }
0x196: {  	_ =	swait.ge [sflag:s8], $0x2000  }
0x197: {  	[sflag:s8] =	ssyncset.done $0x0  }
0x198: {  	s31 =	rddreg [dreg:$0x1f];
	[sflag:s8] =	ssyncadd.s32 $0xFFFFE000  }
0x199: {  	[tilespmem:s9], [sflag:$0x2] =	stream.indirect.gather [hbm4b:s19+s11], $0x40, s31, s11, $0xb8;
	[tilespmem:$0x8800] =	vst v63  }
0x19a: {  	_ =	swait.ge [sflag:s15], $0x2000  }
0x19b: {  	[sflag:s15] =	ssyncset.done $0x0  }
0x19c: {  	s1 =	rddreg [dreg:$0x12];
	[sflag:s15] =	ssyncadd.s32 $0xFFFFE000  }
0x19d: {  	[hbm4b:s1+s4] =	stream.strided.scatter [tilespmem:s7], [sflag:$0x8], $0x2000, s3, s4, $0x38;
	[tilespmem:$0x8800] =	vst v63  }
0x19e: {  	_ =	swait.ge [sflag:s10], $0x2000  }
0x19f: {  	[sflag:s10] =	ssyncset.done $0x0  }
0x1a0: {  	[sflag:s10] =	ssyncadd.s32 $0xFFFFE000  }
0x1a1: {  	[tilespmem:s6], [sflag:$0x3] =	stream.indirect.gather [hbm4b:s19+s11], $0x40, s21, s11, $0xb8;
	[tilespmem:$0x8800] =	vst v63  }
0x1a2: {  	_ =	swait.ge [sflag:s17], $0x2000  }
0x1a3: {  	[sflag:s17] =	ssyncset.done $0x0  }
0x1a4: {  	s21 =	rddreg [dreg:$0x13];
	[sflag:s17] =	ssyncadd.s32 $0xFFFFE000  }
0x1a5: {  	[hbm4b:s21+s4] =	stream.strided.scatter [tilespmem:s14], [sflag:$0x5], $0x2000, s3, s4, $0x38;
	[tilespmem:$0x8800] =	vst v63  }
0x1a6: {  	_ =	swait.ge [sflag:s12], $0x2000  }
0x1a7: {  	[sflag:s12] =	ssyncset.done $0x0  }
0x1a8: {  	[sflag:s12] =	ssyncadd.s32 $0xFFFFE000  }
0x1a9: {  	[tilespmem:s7], [sflag:$0x4] =	stream.indirect.gather [hbm4b:s19+s11], $0x40, s28, s11, $0xb8;
	[tilespmem:$0x8800] =	vst v63  }
0x1aa: {  	_ =	swait.ge [sflag:s16], $0x2000  }
0x1ab: {  	[sflag:s16] =	ssyncset.done $0x0  }
0x1ac: {  	s23 =	rddreg [dreg:$0x14];
	[sflag:s16] =	ssyncadd.s32 $0xFFFFE000  }
0x1ad: {  	[hbm4b:s23+s4] =	stream.strided.scatter [tilespmem:s9], [sflag:$0x6], $0x2000, s3, s4, $0x38;
	[tilespmem:$0x8800] =	vst v63  }
0x1ae: {  	_ =	swait.ge [sflag:s5], $0x2000  }
0x1af: {  	[sflag:s5] =	ssyncset.done $0x0  }
0x1b0: {  	[sflag:s5] =	ssyncadd.s32 $0xFFFFE000  }
0x1b1: {  	[tilespmem:s14], [sflag:$0x1] =	stream.indirect.gather [hbm4b:s2+s11], $0x40, s18, s11, $0xb8;
	[tilespmem:$0x8800] =	vst v63  }
0x1b2: {  	_ =	swait.ge [sflag:s13], $0x2000  }
0x1b3: {  	[sflag:s13] =	ssyncset.done $0x0  }
0x1b4: {  	s24 =	rddreg [dreg:$0x15];
	[sflag:s13] =	ssyncadd.s32 $0xFFFFE000  }
0x1b5: {  	[hbm4b:s24+s4] =	stream.strided.scatter [tilespmem:s6], [sflag:$0x7], $0x2000, s3, s4, $0x38;
	[tilespmem:$0x8800] =	vst v63  }
0x1b6: {  	_ =	swait.ge [sflag:s8], $0x2000  }
0x1b7: {  	[sflag:s8] =	ssyncset.done $0x0  }
0x1b8: {  	[sflag:s8] =	ssyncadd.s32 $0xFFFFE000  }
0x1b9: {  	[tilespmem:s9], [sflag:$0x2] =	stream.indirect.gather [hbm4b:s2+s11], $0x40, s26, s11, $0xb8;
	[tilespmem:$0x8800] =	vst v63  }
0x1ba: {  	_ =	swait.ge [sflag:s15], $0x2000  }
0x1bb: {  	[sflag:s15] =	ssyncset.done $0x0  }
0x1bc: {  	s25 =	rddreg [dreg:$0x16];
	[sflag:s15] =	ssyncadd.s32 $0xFFFFE000  }
0x1bd: {  	[hbm4b:s25+s4] =	stream.strided.scatter [tilespmem:s7], [sflag:$0x8], $0x2000, s3, s4, $0x38;
	[tilespmem:$0x8800] =	vst v63  }
0x1be: {  	_ =	swait.ge [sflag:s10], $0x2000  }
0x1bf: {  	[sflag:s10] =	ssyncset.done $0x0  }
0x1c0: {  	[sflag:s10] =	ssyncadd.s32 $0xFFFFE000  }
0x1c1: {  	[tilespmem:s6], [sflag:$0x3] =	stream.indirect.gather [hbm4b:s2+s11], $0x40, s22, s11, $0xb8;
	[tilespmem:$0x8800] =	vst v63  }
0x1c2: {  	_ =	swait.ge [sflag:s17], $0x2000  }
0x1c3: {  	[sflag:s17] =	ssyncset.done $0x0  }
0x1c4: {  	s26 =	rddreg [dreg:$0x17];
	[sflag:s17] =	ssyncadd.s32 $0xFFFFE000  }
0x1c5: {  	[hbm4b:s26+s4] =	stream.strided.scatter [tilespmem:s14], [sflag:$0x5], $0x2000, s3, s4, $0x38;
	[tilespmem:$0x8800] =	vst v63  }
0x1c6: {  	_ =	swait.ge [sflag:s12], $0x2000  }
0x1c7: {  	[sflag:s12] =	ssyncset.done $0x0  }
0x1c8: {  	s28 =	simm.s32 $0x780;
	[sflag:s12] =	ssyncadd.s32 $0xFFFFE000  }
0x1c9: {  	[tilespmem:s7], [sflag:$0x4] =	stream.indirect.gather [hbm4b:s2+s11], $0x40, s28, s11, $0xb8;
	[tilespmem:$0x8800] =	vst v63  }
0x1ca: {  	_ =	swait.ge [sflag:s16], $0x2000  }
0x1cb: {  	[sflag:s16] =	ssyncset.done $0x0  }
0x1cc: {  	s29 =	rddreg [dreg:$0x18];
	[sflag:s16] =	ssyncadd.s32 $0xFFFFE000  }
0x1cd: {  	[hbm4b:s29+s4] =	stream.strided.scatter [tilespmem:s9], [sflag:$0x6], $0x2000, s3, s4, $0x38;
	[tilespmem:$0x8800] =	vst v63  }
0x1ce: {  	_ =	swait.ge [sflag:s13], $0x2000  }
0x1cf: {  	[sflag:s13] =	ssyncset.done $0x0  }
0x1d0: {  	s30 =	rddreg [dreg:$0x19];
	[sflag:s13] =	ssyncadd.s32 $0xFFFFE000  }
0x1d1: {  	[hbm4b:s30+s4] =	stream.strided.scatter [tilespmem:s6], [sflag:$0x7], $0x2000, s3, s4, $0x38;
	[tilespmem:$0x8800] =	vst v63  }
0x1d2: {  	_ =	swait.ge [sflag:s15], $0x2000  }
0x1d3: {  	[sflag:s15] =	ssyncset.done $0x0  }
0x1d4: {  	s31 =	rddreg [dreg:$0x1a];
	[sflag:s15] =	ssyncadd.s32 $0xFFFFE000  }
0x1d5: {  	[hbm4b:s31+s4] =	stream.strided.scatter [tilespmem:s7], [sflag:$0x8], $0x2000, s3, s4, $0x38;
	[tilespmem:$0x8800] =	vst v63  }
0x1d6: {  	_ =	swait.ge [sflag:s5], $0x2000  }
0x1d7: {  	[sflag:s5] =	ssyncset.done $0x0  }
0x1d8: {  	[sflag:s5] =	ssyncadd.s32 $0xFFFFE000  }
0x1d9: {  	_ =	swait.ge [sflag:s8], $0x2000  }
0x1da: {  	[sflag:s8] =	ssyncset.done $0x0  }
0x1db: {  	[sflag:s8] =	ssyncadd.s32 $0xFFFFE000  }
0x1dc: {  	_ =	swait.ge [sflag:s10], $0x2000  }
0x1dd: {  	[sflag:s10] =	ssyncset.done $0x0  }
0x1de: {  	[sflag:s10] =	ssyncadd.s32 $0xFFFFE000  }
0x1df: {  	_ =	swait.ge [sflag:s12], $0x2000  }
0x1e0: {  	[sflag:s12] =	ssyncset.done $0x0  }
0x1e1: {  	[sflag:s12] =	ssyncadd.s32 $0xFFFFE000  }
0x1e2: {  	_ =	sfence.sel $0x180000  }
0x1e3: {  	[bflag:$0x0] =	sbarrier.arrive $0xFFFF  }
0x1e4: {  	_ =	strace $0x90000047  }
0x1e5: {  	[bflag:$0x2] =	sbarrier.arrive $0xFFFF  }
0x1e6: {  	p0 =	sne.s32 s20, $0x0;
	s0 =	rddreg [dreg:$0x6]  }
0x1e7: {  	s0 =	sadd.s32 @!p0 $0x100000, s0  }
0x1e8: {  	[sflag:s0] =	ssyncadd.tile.s32 @!p0 $0x1;
	_ =	shalt  }
.LBB2_1:
.Ltmp3:
0x1e9: {  	(pc) =	sbr.rel .LBB2_6-.Ltmp3, $3  }
0x1ea: {  	_ =	sdelay $0x1  }
0x1eb: {  	s21 =	simm.s32 $0x500  }
0x1ec: {  	s28 =	simm.s32 $0x580;
	s26 =	simm.s32 $0x680;
	s22 =	simm.s32 $0x700  }
.LBB2_3:
.Ltmp4:
0x1ed: {  	(pc) =	sbr.rel .LBB2_6-.Ltmp4, $3  }
0x1ee: {  	_ =	sdelay $0x1  }
0x1ef: {  	s21 =	simm.s32 $0x500;
	s28 =	simm.s32 $0x580  }
0x1f0: {  	s26 =	simm.s32 $0x680;
	s22 =	simm.s32 $0x700;
	s20 =	stileid.u32  }
.Lfunc_end2:
_tile_overlayer_lowered:
.L_overlay_start_2:
0x1f1: {  	(tag) =	ssettag $0x2  }
0x1f2: {  	s0 =	rddreg [dreg:$0x0];
	s2 =	stileid.u32  }
0x1f3: {  	s1 =	rddreg [dreg:$0x1];
	p0 =	sne.s32 s2, $0x0  }
0x1f4: {  	s3 =	rddreg [dreg:$0x2];
	[bflag:$0x3] =	sbarrier.arrive $0xFFFF;
	s2 =	simm.s32 @!p0 $0x1C09  }
0x1f5: {  	[timem:s3], [sflag:s2] =	dma.local @!p0 [hbm:s0], s1  }
0x1f6: {  	s0 =	simm.s32 @!p0 $0x9  }
0x1f7: {  	_ =	swait.ge @!p0 [sflag:s0], s1  }
0x1f8: {  	s1 =	ssub.s32 @!p0 $0x0, s1;
	[sflag:s0] =	ssyncset.done @!p0 $0x0  }
0x1f9: {  	[sflag:s0] =	ssyncadd.s32 @!p0 s1  }
0x1fa: {  	[bflag:$0x3] =	sbarrier.arrive $0xFFFF  }
0x1fb: {  	_ =	shalt  }

</sc_bundles>
